<compile_context>
chip_gen: v7x
topology: tpu7x:2x2x1
jax: 0.10.2.dev20260603
libtpu: 0.0.44.dev20260713+nightly
codegen_flags: <defaults>
</compile_context>

<pallas_src>
import functools

import jax
import jax.numpy as jnp
from jax import lax
from jax.experimental import pallas as pl
from jax.experimental.pallas import tpu as pltpu
from jax.experimental.pallas import tpu_sc as plsc

V_DIM = 1000000
EMB = 32
BATCH = 16384
CTX = 20

NC = 2
NS = 16
NW = NC * NS
BPW = BATCH // NW
CB = 64
STEPS = BPW // CB
IPC = CB * CTX
GW = 128
GROWS = IPC // GW
IDX_ROWS = BATCH * CTX // GW


def _cbow_body(x_hbm, tab_hbm, out_hbm, idx_v, rows_v, acc_v, sem):
    wid = lax.axis_index("s") * NC + lax.axis_index("c")
    pltpu.sync_copy(x_hbm.at[pl.ds(wid * (STEPS * GROWS), STEPS * GROWS)], idx_v)

    def step(s, carry):
        cps = [
            pltpu.async_copy(
                tab_hbm.at[idx_v.at[s * GROWS + j]],
                rows_v.at[pl.ds(j * GW, GW)],
                sem,
            )
            for j in range(GROWS)
        ]
        for cp in cps:
            cp.wait()

        def comp(b, c2):
            base = b * CTX
            acc0 = jnp.zeros((16,), jnp.float32)
            acc1 = jnp.zeros((16,), jnp.float32)
            for c in range(CTX):
                acc0 = acc0 + rows_v[base + c, 0:16]
                acc1 = acc1 + rows_v[base + c, 16:32]
            acc_v[b, 0:16] = acc0 * (1.0 / CTX)
            acc_v[b, 16:32] = acc1 * (1.0 / CTX)
            return c2

        lax.fori_loop(0, CB, comp, 0)
        pltpu.sync_copy(acc_v, out_hbm.at[pl.ds(wid * BPW + s * CB, CB)])
        return carry

    lax.fori_loop(0, STEPS, step, 0)


_cbow = functools.partial(
    pl.kernel,
    out_type=jax.ShapeDtypeStruct((BATCH, EMB), jnp.float32),
    mesh=plsc.VectorSubcoreMesh(core_axis_name="c", subcore_axis_name="s"),
    compiler_params=pltpu.CompilerParams(use_tc_tiling_on_sc=False),
    scratch_types=[
        pltpu.VMEM((STEPS * GROWS, GW), jnp.int32),
        pltpu.VMEM((IPC, EMB), jnp.float32),
        pltpu.VMEM((CB, EMB), jnp.float32),
        pltpu.SemaphoreType.DMA,
    ],
)(_cbow_body)


def kernel(x, embeddings):
    x2 = x.reshape(IDX_ROWS, GW).astype(jnp.int32)
    return _cbow(x2, embeddings)

# --- scband reference (transcript-rebuilt; emitter-appended) ---
"""Pipeline reference for scband-cbow-7541962572393 (READ-ONLY COPY).

The authoritative reference and input builder live on the scoring server;
editing this copy changes nothing except your own understanding.
"""

import jax, jax.numpy as jnp
import numpy as np

V_DIM = 1000000
EMB_DIM = 32
BATCH = 16384
CTX = 20

def setup_inputs(seed: int = 0) -> dict:
    key = jax.random.key(seed)
    k1, k2 = jax.random.split(key)
    x = jax.random.randint(k1, (BATCH, CTX), 0, V_DIM, dtype=jnp.int64)
    embeddings = jax.random.normal(k2, (V_DIM, EMB_DIM), dtype=jnp.float32)
    return {"x": x, "embeddings": embeddings}

def reference(x, embeddings):
    # nn.Embedding lookup -> gather rows of the table
    emb = jnp.take(embeddings, x, axis=0)  # [B, CTX, EMB_DIM]
    out = jnp.mean(emb, axis=1)            # [B, EMB_DIM]
    return out

if __name__ == "__main__":
    import jax
    _d = setup_inputs()
    print(jax.jit(kernel)(*tuple(_d.values())))

</pallas_src>

<mosaic_0001>
#map = affine_map<(d0, d1) -> (0, 0)>
module attributes {stable_mosaic.version = 14 : i64} {
  func.func @_cbow_body(%arg0: i32, %arg1: i32, %arg2: memref<2560x128xi32, #tpu.memory_space<hbm>>, %arg3: memref<1000000x32xf32, #tpu.memory_space<hbm>>, %arg4: memref<16384x32xf32, #tpu.memory_space<hbm>>, %arg5: memref<80x128xi32, #tpu.memory_space<vmem>>, %arg6: memref<1280x32xf32, #tpu.memory_space<vmem>>, %arg7: memref<64x32xf32, #tpu.memory_space<vmem>>, %arg8: memref<!tpu.dma_semaphore, #tpu.memory_space<semaphore_mem>>) attributes {dimension_semantics = [#tpu.dimension_semantics<core_parallel>, #tpu.dimension_semantics<subcore_parallel>], iteration_bounds = array<i64: 2, 16>, scalar_prefetch = 0 : i64, scratch_operands = 4 : i64, tpu.core_type = #tpu.core_type<sc_vector_subcore>, window_params = [{transform_indices = #map}, {transform_indices = #map}, {transform_indices = #map}]} {
    %mul3A = arith.constant 2 : i32
    %mul3A_0 = arith.muli %arg1, %mul3A : i32
    %add3A = arith.addi %mul3A_0, %arg0 : i32
    %mul3A_1 = arith.constant 80 : i32
    %mul3A_2 = arith.muli %add3A, %mul3A_1 : i32
    "tpu.region"() ({
      %run_scoped3A = tpu.sem_alloc : memref<!tpu.dma_semaphore, #tpu.memory_space<semaphore_mem>>
      %dma_start3A = arith.constant 0 : i32
      %dma_start3A_8 = tpu.memref_slice %arg2[%mul3A_2, %dma_start3A] : memref<2560x128xi32, #tpu.memory_space<hbm>> -> memref<80x128xi32, #tpu.memory_space<hbm>>
      %dma_start3A_9 = arith.constant 0 : i32
      %dma_start3A_10 = tpu.memref_slice %arg2[%mul3A_2, %dma_start3A_9] : memref<2560x128xi32, #tpu.memory_space<hbm>> -> memref<80x128xi32, #tpu.memory_space<hbm>>
      tpu.enqueue_dma source(%dma_start3A_10 : memref<80x128xi32, #tpu.memory_space<hbm>>) target(%arg5 : memref<80x128xi32, #tpu.memory_space<vmem>>) target_semaphore(%run_scoped3A : memref<!tpu.dma_semaphore, #tpu.memory_space<semaphore_mem>>)
      %dma_wait3A = arith.constant 0 : i32
      %dma_wait3A_11 = tpu.memref_slice %arg2[%mul3A_2, %dma_wait3A] : memref<2560x128xi32, #tpu.memory_space<hbm>> -> memref<80x128xi32, #tpu.memory_space<hbm>>
      %dma_wait3A_12 = arith.constant 0 : i32
      %dma_wait3A_13 = tpu.memref_slice %arg2[%mul3A_2, %dma_wait3A_12] : memref<2560x128xi32, #tpu.memory_space<hbm>> -> memref<80x128xi32, #tpu.memory_space<hbm>>
      tpu.wait_dma2 semaphore(%run_scoped3A : memref<!tpu.dma_semaphore, #tpu.memory_space<semaphore_mem>>) src(%dma_wait3A_13 : memref<80x128xi32, #tpu.memory_space<hbm>>) dst(%arg5 : memref<80x128xi32, #tpu.memory_space<vmem>>)
      tpu.yield
    }) : () -> ()
    %scan3A = arith.constant 0 : i32
    %scan3A_3 = arith.constant 0 : i32
    %scan3A_4 = arith.constant 8 : i32
    %scan3A_5 = arith.addi %scan3A_3, %scan3A_4 : i32
    %scan3A_6 = arith.constant 1 : i32
    scf.for %scan3A_8 = %scan3A_3 to %scan3A_5 step %scan3A_6  : i32 {
      %mul3A_9 = arith.constant 10 : i32
      %mul3A_10 = arith.muli %scan3A_8, %mul3A_9 : i32
      %add3A_11 = arith.constant 0 : i32
      %add3A_12 = arith.addi %mul3A_10, %add3A_11 : i32
      %dma_start3A = arith.constant 0 : i32
      %dma_start3A_13 = arith.constant 0 : i32
      %dma_start3A_14 = tpu.memref_slice %arg6[%dma_start3A, %dma_start3A_13] : memref<1280x32xf32, #tpu.memory_space<vmem>> -> memref<128x32xf32, #tpu.memory_space<vmem>>
      %dma_start3A_15 = arith.constant 0 : i32
      %dma_start3A_16 = tpu.memref_slice %arg5[%add3A_12, %dma_start3A_15] : memref<80x128xi32, #tpu.memory_space<vmem>> -> memref<1x128xi32, #tpu.memory_space<vmem>>
      %dma_start3A_17 = tpu.memref_squeeze %dma_start3A_16 : memref<1x128xi32, #tpu.memory_space<vmem>> -> memref<128xi32, #tpu.memory_space<vmem>>
      %dma_start3A_18 = arith.constant 0 : i32
      %dma_start3A_19 = arith.constant 0 : i32
      %dma_start3A_20 = tpu.memref_slice %arg3[%dma_start3A_18, %dma_start3A_19] : memref<1000000x32xf32, #tpu.memory_space<hbm>> -> memref<1000000x32xf32, #tpu.memory_space<hbm>>
      tpu.enqueue_indirect_dma source(%dma_start3A_20 : memref<1000000x32xf32, #tpu.memory_space<hbm>>) target(%dma_start3A_14 : memref<128x32xf32, #tpu.memory_space<vmem>>) offsets(%dma_start3A_17 : memref<128xi32, #tpu.memory_space<vmem>>) semaphore(%arg8 : memref<!tpu.dma_semaphore, #tpu.memory_space<semaphore_mem>>)
      %mul3A_21 = arith.constant 10 : i32
      %mul3A_22 = arith.muli %scan3A_8, %mul3A_21 : i32
      %add3A_23 = arith.constant 1 : i32
      %add3A_24 = arith.addi %mul3A_22, %add3A_23 : i32
      %dma_start3A_25 = arith.constant 128 : i32
      %dma_start3A_26 = arith.constant 0 : i32
      %dma_start3A_27 = tpu.memref_slice %arg6[%dma_start3A_25, %dma_start3A_26] : memref<1280x32xf32, #tpu.memory_space<vmem>> -> memref<128x32xf32, #tpu.memory_space<vmem>>
      %dma_start3A_28 = arith.constant 0 : i32
      %dma_start3A_29 = tpu.memref_slice %arg5[%add3A_24, %dma_start3A_28] : memref<80x128xi32, #tpu.memory_space<vmem>> -> memref<1x128xi32, #tpu.memory_space<vmem>>
      %dma_start3A_30 = tpu.memref_squeeze %dma_start3A_29 : memref<1x128xi32, #tpu.memory_space<vmem>> -> memref<128xi32, #tpu.memory_space<vmem>>
      %dma_start3A_31 = arith.constant 0 : i32
      %dma_start3A_32 = arith.constant 0 : i32
      %dma_start3A_33 = tpu.memref_slice %arg3[%dma_start3A_31, %dma_start3A_32] : memref<1000000x32xf32, #tpu.memory_space<hbm>> -> memref<1000000x32xf32, #tpu.memory_space<hbm>>
      tpu.enqueue_indirect_dma source(%dma_start3A_33 : memref<1000000x32xf32, #tpu.memory_space<hbm>>) target(%dma_start3A_27 : memref<128x32xf32, #tpu.memory_space<vmem>>) offsets(%dma_start3A_30 : memref<128xi32, #tpu.memory_space<vmem>>) semaphore(%arg8 : memref<!tpu.dma_semaphore, #tpu.memory_space<semaphore_mem>>)
      %mul3A_34 = arith.constant 10 : i32
      %mul3A_35 = arith.muli %scan3A_8, %mul3A_34 : i32
      %add3A_36 = arith.constant 2 : i32
      %add3A_37 = arith.addi %mul3A_35, %add3A_36 : i32
      %dma_start3A_38 = arith.constant 256 : i32
      %dma_start3A_39 = arith.constant 0 : i32
      %dma_start3A_40 = tpu.memref_slice %arg6[%dma_start3A_38, %dma_start3A_39] : memref<1280x32xf32, #tpu.memory_space<vmem>> -> memref<128x32xf32, #tpu.memory_space<vmem>>
      %dma_start3A_41 = arith.constant 0 : i32
      %dma_start3A_42 = tpu.memref_slice %arg5[%add3A_37, %dma_start3A_41] : memref<80x128xi32, #tpu.memory_space<vmem>> -> memref<1x128xi32, #tpu.memory_space<vmem>>
      %dma_start3A_43 = tpu.memref_squeeze %dma_start3A_42 : memref<1x128xi32, #tpu.memory_space<vmem>> -> memref<128xi32, #tpu.memory_space<vmem>>
      %dma_start3A_44 = arith.constant 0 : i32
      %dma_start3A_45 = arith.constant 0 : i32
      %dma_start3A_46 = tpu.memref_slice %arg3[%dma_start3A_44, %dma_start3A_45] : memref<1000000x32xf32, #tpu.memory_space<hbm>> -> memref<1000000x32xf32, #tpu.memory_space<hbm>>
      tpu.enqueue_indirect_dma source(%dma_start3A_46 : memref<1000000x32xf32, #tpu.memory_space<hbm>>) target(%dma_start3A_40 : memref<128x32xf32, #tpu.memory_space<vmem>>) offsets(%dma_start3A_43 : memref<128xi32, #tpu.memory_space<vmem>>) semaphore(%arg8 : memref<!tpu.dma_semaphore, #tpu.memory_space<semaphore_mem>>)
      %mul3A_47 = arith.constant 10 : i32
      %mul3A_48 = arith.muli %scan3A_8, %mul3A_47 : i32
      %add3A_49 = arith.constant 3 : i32
      %add3A_50 = arith.addi %mul3A_48, %add3A_49 : i32
      %dma_start3A_51 = arith.constant 384 : i32
      %dma_start3A_52 = arith.constant 0 : i32
      %dma_start3A_53 = tpu.memref_slice %arg6[%dma_start3A_51, %dma_start3A_52] : memref<1280x32xf32, #tpu.memory_space<vmem>> -> memref<128x32xf32, #tpu.memory_space<vmem>>
      %dma_start3A_54 = arith.constant 0 : i32
      %dma_start3A_55 = tpu.memref_slice %arg5[%add3A_50, %dma_start3A_54] : memref<80x128xi32, #tpu.memory_space<vmem>> -> memref<1x128xi32, #tpu.memory_space<vmem>>
      %dma_start3A_56 = tpu.memref_squeeze %dma_start3A_55 : memref<1x128xi32, #tpu.memory_space<vmem>> -> memref<128xi32, #tpu.memory_space<vmem>>
      %dma_start3A_57 = arith.constant 0 : i32
      %dma_start3A_58 = arith.constant 0 : i32
      %dma_start3A_59 = tpu.memref_slice %arg3[%dma_start3A_57, %dma_start3A_58] : memref<1000000x32xf32, #tpu.memory_space<hbm>> -> memref<1000000x32xf32, #tpu.memory_space<hbm>>
      tpu.enqueue_indirect_dma source(%dma_start3A_59 : memref<1000000x32xf32, #tpu.memory_space<hbm>>) target(%dma_start3A_53 : memref<128x32xf32, #tpu.memory_space<vmem>>) offsets(%dma_start3A_56 : memref<128xi32, #tpu.memory_space<vmem>>) semaphore(%arg8 : memref<!tpu.dma_semaphore, #tpu.memory_space<semaphore_mem>>)
      %mul3A_60 = arith.constant 10 : i32
      %mul3A_61 = arith.muli %scan3A_8, %mul3A_60 : i32
      %add3A_62 = arith.constant 4 : i32
      %add3A_63 = arith.addi %mul3A_61, %add3A_62 : i32
      %dma_start3A_64 = arith.constant 512 : i32
      %dma_start3A_65 = arith.constant 0 : i32
      %dma_start3A_66 = tpu.memref_slice %arg6[%dma_start3A_64, %dma_start3A_65] : memref<1280x32xf32, #tpu.memory_space<vmem>> -> memref<128x32xf32, #tpu.memory_space<vmem>>
      %dma_start3A_67 = arith.constant 0 : i32
      %dma_start3A_68 = tpu.memref_slice %arg5[%add3A_63, %dma_start3A_67] : memref<80x128xi32, #tpu.memory_space<vmem>> -> memref<1x128xi32, #tpu.memory_space<vmem>>
      %dma_start3A_69 = tpu.memref_squeeze %dma_start3A_68 : memref<1x128xi32, #tpu.memory_space<vmem>> -> memref<128xi32, #tpu.memory_space<vmem>>
      %dma_start3A_70 = arith.constant 0 : i32
      %dma_start3A_71 = arith.constant 0 : i32
      %dma_start3A_72 = tpu.memref_slice %arg3[%dma_start3A_70, %dma_start3A_71] : memref<1000000x32xf32, #tpu.memory_space<hbm>> -> memref<1000000x32xf32, #tpu.memory_space<hbm>>
      tpu.enqueue_indirect_dma source(%dma_start3A_72 : memref<1000000x32xf32, #tpu.memory_space<hbm>>) target(%dma_start3A_66 : memref<128x32xf32, #tpu.memory_space<vmem>>) offsets(%dma_start3A_69 : memref<128xi32, #tpu.memory_space<vmem>>) semaphore(%arg8 : memref<!tpu.dma_semaphore, #tpu.memory_space<semaphore_mem>>)
      %mul3A_73 = arith.constant 10 : i32
      %mul3A_74 = arith.muli %scan3A_8, %mul3A_73 : i32
      %add3A_75 = arith.constant 5 : i32
      %add3A_76 = arith.addi %mul3A_74, %add3A_75 : i32
      %dma_start3A_77 = arith.constant 640 : i32
      %dma_start3A_78 = arith.constant 0 : i32
      %dma_start3A_79 = tpu.memref_slice %arg6[%dma_start3A_77, %dma_start3A_78] : memref<1280x32xf32, #tpu.memory_space<vmem>> -> memref<128x32xf32, #tpu.memory_space<vmem>>
      %dma_start3A_80 = arith.constant 0 : i32
      %dma_start3A_81 = tpu.memref_slice %arg5[%add3A_76, %dma_start3A_80] : memref<80x128xi32, #tpu.memory_space<vmem>> -> memref<1x128xi32, #tpu.memory_space<vmem>>
      %dma_start3A_82 = tpu.memref_squeeze %dma_start3A_81 : memref<1x128xi32, #tpu.memory_space<vmem>> -> memref<128xi32, #tpu.memory_space<vmem>>
      %dma_start3A_83 = arith.constant 0 : i32
      %dma_start3A_84 = arith.constant 0 : i32
      %dma_start3A_85 = tpu.memref_slice %arg3[%dma_start3A_83, %dma_start3A_84] : memref<1000000x32xf32, #tpu.memory_space<hbm>> -> memref<1000000x32xf32, #tpu.memory_space<hbm>>
      tpu.enqueue_indirect_dma source(%dma_start3A_85 : memref<1000000x32xf32, #tpu.memory_space<hbm>>) target(%dma_start3A_79 : memref<128x32xf32, #tpu.memory_space<vmem>>) offsets(%dma_start3A_82 : memref<128xi32, #tpu.memory_space<vmem>>) semaphore(%arg8 : memref<!tpu.dma_semaphore, #tpu.memory_space<semaphore_mem>>)
      %mul3A_86 = arith.constant 10 : i32
      %mul3A_87 = arith.muli %scan3A_8, %mul3A_86 : i32
      %add3A_88 = arith.constant 6 : i32
      %add3A_89 = arith.addi %mul3A_87, %add3A_88 : i32
      %dma_start3A_90 = arith.constant 768 : i32
      %dma_start3A_91 = arith.constant 0 : i32
      %dma_start3A_92 = tpu.memref_slice %arg6[%dma_start3A_90, %dma_start3A_91] : memref<1280x32xf32, #tpu.memory_space<vmem>> -> memref<128x32xf32, #tpu.memory_space<vmem>>
      %dma_start3A_93 = arith.constant 0 : i32
      %dma_start3A_94 = tpu.memref_slice %arg5[%add3A_89, %dma_start3A_93] : memref<80x128xi32, #tpu.memory_space<vmem>> -> memref<1x128xi32, #tpu.memory_space<vmem>>
      %dma_start3A_95 = tpu.memref_squeeze %dma_start3A_94 : memref<1x128xi32, #tpu.memory_space<vmem>> -> memref<128xi32, #tpu.memory_space<vmem>>
      %dma_start3A_96 = arith.constant 0 : i32
      %dma_start3A_97 = arith.constant 0 : i32
      %dma_start3A_98 = tpu.memref_slice %arg3[%dma_start3A_96, %dma_start3A_97] : memref<1000000x32xf32, #tpu.memory_space<hbm>> -> memref<1000000x32xf32, #tpu.memory_space<hbm>>
      tpu.enqueue_indirect_dma source(%dma_start3A_98 : memref<1000000x32xf32, #tpu.memory_space<hbm>>) target(%dma_start3A_92 : memref<128x32xf32, #tpu.memory_space<vmem>>) offsets(%dma_start3A_95 : memref<128xi32, #tpu.memory_space<vmem>>) semaphore(%arg8 : memref<!tpu.dma_semaphore, #tpu.memory_space<semaphore_mem>>)
      %mul3A_99 = arith.constant 10 : i32
      %mul3A_100 = arith.muli %scan3A_8, %mul3A_99 : i32
      %add3A_101 = arith.constant 7 : i32
      %add3A_102 = arith.addi %mul3A_100, %add3A_101 : i32
      %dma_start3A_103 = arith.constant 896 : i32
      %dma_start3A_104 = arith.constant 0 : i32
      %dma_start3A_105 = tpu.memref_slice %arg6[%dma_start3A_103, %dma_start3A_104] : memref<1280x32xf32, #tpu.memory_space<vmem>> -> memref<128x32xf32, #tpu.memory_space<vmem>>
      %dma_start3A_106 = arith.constant 0 : i32
      %dma_start3A_107 = tpu.memref_slice %arg5[%add3A_102, %dma_start3A_106] : memref<80x128xi32, #tpu.memory_space<vmem>> -> memref<1x128xi32, #tpu.memory_space<vmem>>
      %dma_start3A_108 = tpu.memref_squeeze %dma_start3A_107 : memref<1x128xi32, #tpu.memory_space<vmem>> -> memref<128xi32, #tpu.memory_space<vmem>>
      %dma_start3A_109 = arith.constant 0 : i32
      %dma_start3A_110 = arith.constant 0 : i32
      %dma_start3A_111 = tpu.memref_slice %arg3[%dma_start3A_109, %dma_start3A_110] : memref<1000000x32xf32, #tpu.memory_space<hbm>> -> memref<1000000x32xf32, #tpu.memory_space<hbm>>
      tpu.enqueue_indirect_dma source(%dma_start3A_111 : memref<1000000x32xf32, #tpu.memory_space<hbm>>) target(%dma_start3A_105 : memref<128x32xf32, #tpu.memory_space<vmem>>) offsets(%dma_start3A_108 : memref<128xi32, #tpu.memory_space<vmem>>) semaphore(%arg8 : memref<!tpu.dma_semaphore, #tpu.memory_space<semaphore_mem>>)
      %mul3A_112 = arith.constant 10 : i32
      %mul3A_113 = arith.muli %scan3A_8, %mul3A_112 : i32
      %add3A_114 = arith.constant 8 : i32
      %add3A_115 = arith.addi %mul3A_113, %add3A_114 : i32
      %dma_start3A_116 = arith.constant 1024 : i32
      %dma_start3A_117 = arith.constant 0 : i32
      %dma_start3A_118 = tpu.memref_slice %arg6[%dma_start3A_116, %dma_start3A_117] : memref<1280x32xf32, #tpu.memory_space<vmem>> -> memref<128x32xf32, #tpu.memory_space<vmem>>
      %dma_start3A_119 = arith.constant 0 : i32
      %dma_start3A_120 = tpu.memref_slice %arg5[%add3A_115, %dma_start3A_119] : memref<80x128xi32, #tpu.memory_space<vmem>> -> memref<1x128xi32, #tpu.memory_space<vmem>>
      %dma_start3A_121 = tpu.memref_squeeze %dma_start3A_120 : memref<1x128xi32, #tpu.memory_space<vmem>> -> memref<128xi32, #tpu.memory_space<vmem>>
      %dma_start3A_122 = arith.constant 0 : i32
      %dma_start3A_123 = arith.constant 0 : i32
      %dma_start3A_124 = tpu.memref_slice %arg3[%dma_start3A_122, %dma_start3A_123] : memref<1000000x32xf32, #tpu.memory_space<hbm>> -> memref<1000000x32xf32, #tpu.memory_space<hbm>>
      tpu.enqueue_indirect_dma source(%dma_start3A_124 : memref<1000000x32xf32, #tpu.memory_space<hbm>>) target(%dma_start3A_118 : memref<128x32xf32, #tpu.memory_space<vmem>>) offsets(%dma_start3A_121 : memref<128xi32, #tpu.memory_space<vmem>>) semaphore(%arg8 : memref<!tpu.dma_semaphore, #tpu.memory_space<semaphore_mem>>)
      %mul3A_125 = arith.constant 10 : i32
      %mul3A_126 = arith.muli %scan3A_8, %mul3A_125 : i32
      %add3A_127 = arith.constant 9 : i32
      %add3A_128 = arith.addi %mul3A_126, %add3A_127 : i32
      %dma_start3A_129 = arith.constant 1152 : i32
      %dma_start3A_130 = arith.constant 0 : i32
      %dma_start3A_131 = tpu.memref_slice %arg6[%dma_start3A_129, %dma_start3A_130] : memref<1280x32xf32, #tpu.memory_space<vmem>> -> memref<128x32xf32, #tpu.memory_space<vmem>>
      %dma_start3A_132 = arith.constant 0 : i32
      %dma_start3A_133 = tpu.memref_slice %arg5[%add3A_128, %dma_start3A_132] : memref<80x128xi32, #tpu.memory_space<vmem>> -> memref<1x128xi32, #tpu.memory_space<vmem>>
      %dma_start3A_134 = tpu.memref_squeeze %dma_start3A_133 : memref<1x128xi32, #tpu.memory_space<vmem>> -> memref<128xi32, #tpu.memory_space<vmem>>
      %dma_start3A_135 = arith.constant 0 : i32
      %dma_start3A_136 = arith.constant 0 : i32
      %dma_start3A_137 = tpu.memref_slice %arg3[%dma_start3A_135, %dma_start3A_136] : memref<1000000x32xf32, #tpu.memory_space<hbm>> -> memref<1000000x32xf32, #tpu.memory_space<hbm>>
      tpu.enqueue_indirect_dma source(%dma_start3A_137 : memref<1000000x32xf32, #tpu.memory_space<hbm>>) target(%dma_start3A_131 : memref<128x32xf32, #tpu.memory_space<vmem>>) offsets(%dma_start3A_134 : memref<128xi32, #tpu.memory_space<vmem>>) semaphore(%arg8 : memref<!tpu.dma_semaphore, #tpu.memory_space<semaphore_mem>>)
      %dma_wait3A = arith.constant 0 : i32
      %dma_wait3A_138 = arith.constant 0 : i32
      %dma_wait3A_139 = tpu.memref_slice %arg6[%dma_wait3A, %dma_wait3A_138] : memref<1280x32xf32, #tpu.memory_space<vmem>> -> memref<128x32xf32, #tpu.memory_space<vmem>>
      %dma_wait3A_140 = arith.constant 0 : i32
      %dma_wait3A_141 = tpu.memref_slice %arg5[%add3A_12, %dma_wait3A_140] : memref<80x128xi32, #tpu.memory_space<vmem>> -> memref<1x128xi32, #tpu.memory_space<vmem>>
      %dma_wait3A_142 = tpu.memref_squeeze %dma_wait3A_141 : memref<1x128xi32, #tpu.memory_space<vmem>> -> memref<128xi32, #tpu.memory_space<vmem>>
      %dma_wait3A_143 = arith.constant 0 : i32
      %dma_wait3A_144 = arith.constant 0 : i32
      %dma_wait3A_145 = tpu.memref_slice %arg3[%dma_wait3A_143, %dma_wait3A_144] : memref<1000000x32xf32, #tpu.memory_space<hbm>> -> memref<1000000x32xf32, #tpu.memory_space<hbm>>
      tpu.wait_indirect_dma semaphore(%arg8 : memref<!tpu.dma_semaphore, #tpu.memory_space<semaphore_mem>>) src(%dma_wait3A_145 : memref<1000000x32xf32, #tpu.memory_space<hbm>>) dst(%dma_wait3A_139 : memref<128x32xf32, #tpu.memory_space<vmem>>)
      %dma_wait3A_146 = arith.constant 128 : i32
      %dma_wait3A_147 = arith.constant 0 : i32
      %dma_wait3A_148 = tpu.memref_slice %arg6[%dma_wait3A_146, %dma_wait3A_147] : memref<1280x32xf32, #tpu.memory_space<vmem>> -> memref<128x32xf32, #tpu.memory_space<vmem>>
      %dma_wait3A_149 = arith.constant 0 : i32
      %dma_wait3A_150 = tpu.memref_slice %arg5[%add3A_24, %dma_wait3A_149] : memref<80x128xi32, #tpu.memory_space<vmem>> -> memref<1x128xi32, #tpu.memory_space<vmem>>
      %dma_wait3A_151 = tpu.memref_squeeze %dma_wait3A_150 : memref<1x128xi32, #tpu.memory_space<vmem>> -> memref<128xi32, #tpu.memory_space<vmem>>
      %dma_wait3A_152 = arith.constant 0 : i32
      %dma_wait3A_153 = arith.constant 0 : i32
      %dma_wait3A_154 = tpu.memref_slice %arg3[%dma_wait3A_152, %dma_wait3A_153] : memref<1000000x32xf32, #tpu.memory_space<hbm>> -> memref<1000000x32xf32, #tpu.memory_space<hbm>>
      tpu.wait_indirect_dma semaphore(%arg8 : memref<!tpu.dma_semaphore, #tpu.memory_space<semaphore_mem>>) src(%dma_wait3A_154 : memref<1000000x32xf32, #tpu.memory_space<hbm>>) dst(%dma_wait3A_148 : memref<128x32xf32, #tpu.memory_space<vmem>>)
      %dma_wait3A_155 = arith.constant 256 : i32
      %dma_wait3A_156 = arith.constant 0 : i32
      %dma_wait3A_157 = tpu.memref_slice %arg6[%dma_wait3A_155, %dma_wait3A_156] : memref<1280x32xf32, #tpu.memory_space<vmem>> -> memref<128x32xf32, #tpu.memory_space<vmem>>
      %dma_wait3A_158 = arith.constant 0 : i32
      %dma_wait3A_159 = tpu.memref_slice %arg5[%add3A_37, %dma_wait3A_158] : memref<80x128xi32, #tpu.memory_space<vmem>> -> memref<1x128xi32, #tpu.memory_space<vmem>>
      %dma_wait3A_160 = tpu.memref_squeeze %dma_wait3A_159 : memref<1x128xi32, #tpu.memory_space<vmem>> -> memref<128xi32, #tpu.memory_space<vmem>>
      %dma_wait3A_161 = arith.constant 0 : i32
      %dma_wait3A_162 = arith.constant 0 : i32
      %dma_wait3A_163 = tpu.memref_slice %arg3[%dma_wait3A_161, %dma_wait3A_162] : memref<1000000x32xf32, #tpu.memory_space<hbm>> -> memref<1000000x32xf32, #tpu.memory_space<hbm>>
      tpu.wait_indirect_dma semaphore(%arg8 : memref<!tpu.dma_semaphore, #tpu.memory_space<semaphore_mem>>) src(%dma_wait3A_163 : memref<1000000x32xf32, #tpu.memory_space<hbm>>) dst(%dma_wait3A_157 : memref<128x32xf32, #tpu.memory_space<vmem>>)
      %dma_wait3A_164 = arith.constant 384 : i32
      %dma_wait3A_165 = arith.constant 0 : i32
      %dma_wait3A_166 = tpu.memref_slice %arg6[%dma_wait3A_164, %dma_wait3A_165] : memref<1280x32xf32, #tpu.memory_space<vmem>> -> memref<128x32xf32, #tpu.memory_space<vmem>>
      %dma_wait3A_167 = arith.constant 0 : i32
      %dma_wait3A_168 = tpu.memref_slice %arg5[%add3A_50, %dma_wait3A_167] : memref<80x128xi32, #tpu.memory_space<vmem>> -> memref<1x128xi32, #tpu.memory_space<vmem>>
      %dma_wait3A_169 = tpu.memref_squeeze %dma_wait3A_168 : memref<1x128xi32, #tpu.memory_space<vmem>> -> memref<128xi32, #tpu.memory_space<vmem>>
      %dma_wait3A_170 = arith.constant 0 : i32
      %dma_wait3A_171 = arith.constant 0 : i32
      %dma_wait3A_172 = tpu.memref_slice %arg3[%dma_wait3A_170, %dma_wait3A_171] : memref<1000000x32xf32, #tpu.memory_space<hbm>> -> memref<1000000x32xf32, #tpu.memory_space<hbm>>
      tpu.wait_indirect_dma semaphore(%arg8 : memref<!tpu.dma_semaphore, #tpu.memory_space<semaphore_mem>>) src(%dma_wait3A_172 : memref<1000000x32xf32, #tpu.memory_space<hbm>>) dst(%dma_wait3A_166 : memref<128x32xf32, #tpu.memory_space<vmem>>)
      %dma_wait3A_173 = arith.constant 512 : i32
      %dma_wait3A_174 = arith.constant 0 : i32
      %dma_wait3A_175 = tpu.memref_slice %arg6[%dma_wait3A_173, %dma_wait3A_174] : memref<1280x32xf32, #tpu.memory_space<vmem>> -> memref<128x32xf32, #tpu.memory_space<vmem>>
      %dma_wait3A_176 = arith.constant 0 : i32
      %dma_wait3A_177 = tpu.memref_slice %arg5[%add3A_63, %dma_wait3A_176] : memref<80x128xi32, #tpu.memory_space<vmem>> -> memref<1x128xi32, #tpu.memory_space<vmem>>
      %dma_wait3A_178 = tpu.memref_squeeze %dma_wait3A_177 : memref<1x128xi32, #tpu.memory_space<vmem>> -> memref<128xi32, #tpu.memory_space<vmem>>
      %dma_wait3A_179 = arith.constant 0 : i32
      %dma_wait3A_180 = arith.constant 0 : i32
      %dma_wait3A_181 = tpu.memref_slice %arg3[%dma_wait3A_179, %dma_wait3A_180] : memref<1000000x32xf32, #tpu.memory_space<hbm>> -> memref<1000000x32xf32, #tpu.memory_space<hbm>>
      tpu.wait_indirect_dma semaphore(%arg8 : memref<!tpu.dma_semaphore, #tpu.memory_space<semaphore_mem>>) src(%dma_wait3A_181 : memref<1000000x32xf32, #tpu.memory_space<hbm>>) dst(%dma_wait3A_175 : memref<128x32xf32, #tpu.memory_space<vmem>>)
      %dma_wait3A_182 = arith.constant 640 : i32
      %dma_wait3A_183 = arith.constant 0 : i32
      %dma_wait3A_184 = tpu.memref_slice %arg6[%dma_wait3A_182, %dma_wait3A_183] : memref<1280x32xf32, #tpu.memory_space<vmem>> -> memref<128x32xf32, #tpu.memory_space<vmem>>
      %dma_wait3A_185 = arith.constant 0 : i32
      %dma_wait3A_186 = tpu.memref_slice %arg5[%add3A_76, %dma_wait3A_185] : memref<80x128xi32, #tpu.memory_space<vmem>> -> memref<1x128xi32, #tpu.memory_space<vmem>>
      %dma_wait3A_187 = tpu.memref_squeeze %dma_wait3A_186 : memref<1x128xi32, #tpu.memory_space<vmem>> -> memref<128xi32, #tpu.memory_space<vmem>>
      %dma_wait3A_188 = arith.constant 0 : i32
      %dma_wait3A_189 = arith.constant 0 : i32
      %dma_wait3A_190 = tpu.memref_slice %arg3[%dma_wait3A_188, %dma_wait3A_189] : memref<1000000x32xf32, #tpu.memory_space<hbm>> -> memref<1000000x32xf32, #tpu.memory_space<hbm>>
      tpu.wait_indirect_dma semaphore(%arg8 : memref<!tpu.dma_semaphore, #tpu.memory_space<semaphore_mem>>) src(%dma_wait3A_190 : memref<1000000x32xf32, #tpu.memory_space<hbm>>) dst(%dma_wait3A_184 : memref<128x32xf32, #tpu.memory_space<vmem>>)
      %dma_wait3A_191 = arith.constant 768 : i32
      %dma_wait3A_192 = arith.constant 0 : i32
      %dma_wait3A_193 = tpu.memref_slice %arg6[%dma_wait3A_191, %dma_wait3A_192] : memref<1280x32xf32, #tpu.memory_space<vmem>> -> memref<128x32xf32, #tpu.memory_space<vmem>>
      %dma_wait3A_194 = arith.constant 0 : i32
      %dma_wait3A_195 = tpu.memref_slice %arg5[%add3A_89, %dma_wait3A_194] : memref<80x128xi32, #tpu.memory_space<vmem>> -> memref<1x128xi32, #tpu.memory_space<vmem>>
      %dma_wait3A_196 = tpu.memref_squeeze %dma_wait3A_195 : memref<1x128xi32, #tpu.memory_space<vmem>> -> memref<128xi32, #tpu.memory_space<vmem>>
      %dma_wait3A_197 = arith.constant 0 : i32
      %dma_wait3A_198 = arith.constant 0 : i32
      %dma_wait3A_199 = tpu.memref_slice %arg3[%dma_wait3A_197, %dma_wait3A_198] : memref<1000000x32xf32, #tpu.memory_space<hbm>> -> memref<1000000x32xf32, #tpu.memory_space<hbm>>
      tpu.wait_indirect_dma semaphore(%arg8 : memref<!tpu.dma_semaphore, #tpu.memory_space<semaphore_mem>>) src(%dma_wait3A_199 : memref<1000000x32xf32, #tpu.memory_space<hbm>>) dst(%dma_wait3A_193 : memref<128x32xf32, #tpu.memory_space<vmem>>)
      %dma_wait3A_200 = arith.constant 896 : i32
      %dma_wait3A_201 = arith.constant 0 : i32
      %dma_wait3A_202 = tpu.memref_slice %arg6[%dma_wait3A_200, %dma_wait3A_201] : memref<1280x32xf32, #tpu.memory_space<vmem>> -> memref<128x32xf32, #tpu.memory_space<vmem>>
      %dma_wait3A_203 = arith.constant 0 : i32
      %dma_wait3A_204 = tpu.memref_slice %arg5[%add3A_102, %dma_wait3A_203] : memref<80x128xi32, #tpu.memory_space<vmem>> -> memref<1x128xi32, #tpu.memory_space<vmem>>
      %dma_wait3A_205 = tpu.memref_squeeze %dma_wait3A_204 : memref<1x128xi32, #tpu.memory_space<vmem>> -> memref<128xi32, #tpu.memory_space<vmem>>
      %dma_wait3A_206 = arith.constant 0 : i32
      %dma_wait3A_207 = arith.constant 0 : i32
      %dma_wait3A_208 = tpu.memref_slice %arg3[%dma_wait3A_206, %dma_wait3A_207] : memref<1000000x32xf32, #tpu.memory_space<hbm>> -> memref<1000000x32xf32, #tpu.memory_space<hbm>>
      tpu.wait_indirect_dma semaphore(%arg8 : memref<!tpu.dma_semaphore, #tpu.memory_space<semaphore_mem>>) src(%dma_wait3A_208 : memref<1000000x32xf32, #tpu.memory_space<hbm>>) dst(%dma_wait3A_202 : memref<128x32xf32, #tpu.memory_space<vmem>>)
      %dma_wait3A_209 = arith.constant 1024 : i32
      %dma_wait3A_210 = arith.constant 0 : i32
      %dma_wait3A_211 = tpu.memref_slice %arg6[%dma_wait3A_209, %dma_wait3A_210] : memref<1280x32xf32, #tpu.memory_space<vmem>> -> memref<128x32xf32, #tpu.memory_space<vmem>>
      %dma_wait3A_212 = arith.constant 0 : i32
      %dma_wait3A_213 = tpu.memref_slice %arg5[%add3A_115, %dma_wait3A_212] : memref<80x128xi32, #tpu.memory_space<vmem>> -> memref<1x128xi32, #tpu.memory_space<vmem>>
      %dma_wait3A_214 = tpu.memref_squeeze %dma_wait3A_213 : memref<1x128xi32, #tpu.memory_space<vmem>> -> memref<128xi32, #tpu.memory_space<vmem>>
      %dma_wait3A_215 = arith.constant 0 : i32
      %dma_wait3A_216 = arith.constant 0 : i32
      %dma_wait3A_217 = tpu.memref_slice %arg3[%dma_wait3A_215, %dma_wait3A_216] : memref<1000000x32xf32, #tpu.memory_space<hbm>> -> memref<1000000x32xf32, #tpu.memory_space<hbm>>
      tpu.wait_indirect_dma semaphore(%arg8 : memref<!tpu.dma_semaphore, #tpu.memory_space<semaphore_mem>>) src(%dma_wait3A_217 : memref<1000000x32xf32, #tpu.memory_space<hbm>>) dst(%dma_wait3A_211 : memref<128x32xf32, #tpu.memory_space<vmem>>)
      %dma_wait3A_218 = arith.constant 1152 : i32
      %dma_wait3A_219 = arith.constant 0 : i32
      %dma_wait3A_220 = tpu.memref_slice %arg6[%dma_wait3A_218, %dma_wait3A_219] : memref<1280x32xf32, #tpu.memory_space<vmem>> -> memref<128x32xf32, #tpu.memory_space<vmem>>
      %dma_wait3A_221 = arith.constant 0 : i32
      %dma_wait3A_222 = tpu.memref_slice %arg5[%add3A_128, %dma_wait3A_221] : memref<80x128xi32, #tpu.memory_space<vmem>> -> memref<1x128xi32, #tpu.memory_space<vmem>>
      %dma_wait3A_223 = tpu.memref_squeeze %dma_wait3A_222 : memref<1x128xi32, #tpu.memory_space<vmem>> -> memref<128xi32, #tpu.memory_space<vmem>>
      %dma_wait3A_224 = arith.constant 0 : i32
      %dma_wait3A_225 = arith.constant 0 : i32
      %dma_wait3A_226 = tpu.memref_slice %arg3[%dma_wait3A_224, %dma_wait3A_225] : memref<1000000x32xf32, #tpu.memory_space<hbm>> -> memref<1000000x32xf32, #tpu.memory_space<hbm>>
      tpu.wait_indirect_dma semaphore(%arg8 : memref<!tpu.dma_semaphore, #tpu.memory_space<semaphore_mem>>) src(%dma_wait3A_226 : memref<1000000x32xf32, #tpu.memory_space<hbm>>) dst(%dma_wait3A_220 : memref<128x32xf32, #tpu.memory_space<vmem>>)
      %scan3A_227 = arith.constant 0 : i32
      %scan3A_228 = arith.constant 0 : i32
      %scan3A_229 = arith.constant 64 : i32
      %scan3A_230 = arith.addi %scan3A_228, %scan3A_229 : i32
      %scan3A_231 = arith.constant 1 : i32
      scf.for %scan3A_238 = %scan3A_228 to %scan3A_230 step %scan3A_231  : i32 {
        %mul3A_239 = arith.constant 20 : i32
        %mul3A_240 = arith.muli %scan3A_238, %mul3A_239 : i32
        %broadcast_in_dim3A = arith.constant 0.000000e+00 : f32
        %broadcast_in_dim3A_241 = vector.broadcast %broadcast_in_dim3A : f32 to vector<16xf32>
        %broadcast_in_dim3A_242 = arith.constant 0.000000e+00 : f32
        %broadcast_in_dim3A_243 = vector.broadcast %broadcast_in_dim3A_242 : f32 to vector<16xf32>
        %add3A_244 = arith.constant 0 : i32
        %add3A_245 = arith.addi %mul3A_240, %add3A_244 : i32
        %get3A = arith.index_cast %add3A_245 : i32 to index
        %get3A_246 = arith.constant 0 : index
        %get3A_247 = tpu.vector_load %arg6[%get3A, %get3A_246] {strides = array<i32>} : memref<1280x32xf32, #tpu.memory_space<vmem>>, vector<1x16xf32>,
        %get3A_248 = vector.shape_cast %get3A_247 : vector<1x16xf32> to vector<16xf32>
        %add3A_249 = arith.addf %broadcast_in_dim3A_241, %get3A_248 : vector<16xf32>
        %add3A_250 = arith.constant 0 : i32
        %add3A_251 = arith.addi %mul3A_240, %add3A_250 : i32
        %get3A_252 = arith.index_cast %add3A_251 : i32 to index
        %get3A_253 = arith.constant 16 : index
        %get3A_254 = tpu.vector_load %arg6[%get3A_252, %get3A_253] {strides = array<i32>} : memref<1280x32xf32, #tpu.memory_space<vmem>>, vector<1x16xf32>,
        %get3A_255 = vector.shape_cast %get3A_254 : vector<1x16xf32> to vector<16xf32>
        %add3A_256 = arith.addf %broadcast_in_dim3A_243, %get3A_255 : vector<16xf32>
        %add3A_257 = arith.constant 1 : i32
        %add3A_258 = arith.addi %mul3A_240, %add3A_257 : i32
        %get3A_259 = arith.index_cast %add3A_258 : i32 to index
        %get3A_260 = arith.constant 0 : index
        %get3A_261 = tpu.vector_load %arg6[%get3A_259, %get3A_260] {strides = array<i32>} : memref<1280x32xf32, #tpu.memory_space<vmem>>, vector<1x16xf32>,
        %get3A_262 = vector.shape_cast %get3A_261 : vector<1x16xf32> to vector<16xf32>
        %add3A_263 = arith.addf %add3A_249, %get3A_262 : vector<16xf32>
        %add3A_264 = arith.constant 1 : i32
        %add3A_265 = arith.addi %mul3A_240, %add3A_264 : i32
        %get3A_266 = arith.index_cast %add3A_265 : i32 to index
        %get3A_267 = arith.constant 16 : index
        %get3A_268 = tpu.vector_load %arg6[%get3A_266, %get3A_267] {strides = array<i32>} : memref<1280x32xf32, #tpu.memory_space<vmem>>, vector<1x16xf32>,
        %get3A_269 = vector.shape_cast %get3A_268 : vector<1x16xf32> to vector<16xf32>
        %add3A_270 = arith.addf %add3A_256, %get3A_269 : vector<16xf32>
        %add3A_271 = arith.constant 2 : i32
        %add3A_272 = arith.addi %mul3A_240, %add3A_271 : i32
        %get3A_273 = arith.index_cast %add3A_272 : i32 to index
        %get3A_274 = arith.constant 0 : index
        %get3A_275 = tpu.vector_load %arg6[%get3A_273, %get3A_274] {strides = array<i32>} : memref<1280x32xf32, #tpu.memory_space<vmem>>, vector<1x16xf32>,
        %get3A_276 = vector.shape_cast %get3A_275 : vector<1x16xf32> to vector<16xf32>
        %add3A_277 = arith.addf %add3A_263, %get3A_276 : vector<16xf32>
        %add3A_278 = arith.constant 2 : i32
        %add3A_279 = arith.addi %mul3A_240, %add3A_278 : i32
        %get3A_280 = arith.index_cast %add3A_279 : i32 to index
        %get3A_281 = arith.constant 16 : index
        %get3A_282 = tpu.vector_load %arg6[%get3A_280, %get3A_281] {strides = array<i32>} : memref<1280x32xf32, #tpu.memory_space<vmem>>, vector<1x16xf32>,
        %get3A_283 = vector.shape_cast %get3A_282 : vector<1x16xf32> to vector<16xf32>
        %add3A_284 = arith.addf %add3A_270, %get3A_283 : vector<16xf32>
        %add3A_285 = arith.constant 3 : i32
        %add3A_286 = arith.addi %mul3A_240, %add3A_285 : i32
        %get3A_287 = arith.index_cast %add3A_286 : i32 to index
        %get3A_288 = arith.constant 0 : index
        %get3A_289 = tpu.vector_load %arg6[%get3A_287, %get3A_288] {strides = array<i32>} : memref<1280x32xf32, #tpu.memory_space<vmem>>, vector<1x16xf32>,
        %get3A_290 = vector.shape_cast %get3A_289 : vector<1x16xf32> to vector<16xf32>
        %add3A_291 = arith.addf %add3A_277, %get3A_290 : vector<16xf32>
        %add3A_292 = arith.constant 3 : i32
        %add3A_293 = arith.addi %mul3A_240, %add3A_292 : i32
        %get3A_294 = arith.index_cast %add3A_293 : i32 to index
        %get3A_295 = arith.constant 16 : index
        %get3A_296 = tpu.vector_load %arg6[%get3A_294, %get3A_295] {strides = array<i32>} : memref<1280x32xf32, #tpu.memory_space<vmem>>, vector<1x16xf32>,
        %get3A_297 = vector.shape_cast %get3A_296 : vector<1x16xf32> to vector<16xf32>
        %add3A_298 = arith.addf %add3A_284, %get3A_297 : vector<16xf32>
        %add3A_299 = arith.constant 4 : i32
        %add3A_300 = arith.addi %mul3A_240, %add3A_299 : i32
        %get3A_301 = arith.index_cast %add3A_300 : i32 to index
        %get3A_302 = arith.constant 0 : index
        %get3A_303 = tpu.vector_load %arg6[%get3A_301, %get3A_302] {strides = array<i32>} : memref<1280x32xf32, #tpu.memory_space<vmem>>, vector<1x16xf32>,
        %get3A_304 = vector.shape_cast %get3A_303 : vector<1x16xf32> to vector<16xf32>
        %add3A_305 = arith.addf %add3A_291, %get3A_304 : vector<16xf32>
        %add3A_306 = arith.constant 4 : i32
        %add3A_307 = arith.addi %mul3A_240, %add3A_306 : i32
        %get3A_308 = arith.index_cast %add3A_307 : i32 to index
        %get3A_309 = arith.constant 16 : index
        %get3A_310 = tpu.vector_load %arg6[%get3A_308, %get3A_309] {strides = array<i32>} : memref<1280x32xf32, #tpu.memory_space<vmem>>, vector<1x16xf32>,
        %get3A_311 = vector.shape_cast %get3A_310 : vector<1x16xf32> to vector<16xf32>
        %add3A_312 = arith.addf %add3A_298, %get3A_311 : vector<16xf32>
        %add3A_313 = arith.constant 5 : i32
        %add3A_314 = arith.addi %mul3A_240, %add3A_313 : i32
        %get3A_315 = arith.index_cast %add3A_314 : i32 to index
        %get3A_316 = arith.constant 0 : index
        %get3A_317 = tpu.vector_load %arg6[%get3A_315, %get3A_316] {strides = array<i32>} : memref<1280x32xf32, #tpu.memory_space<vmem>>, vector<1x16xf32>,
        %get3A_318 = vector.shape_cast %get3A_317 : vector<1x16xf32> to vector<16xf32>
        %add3A_319 = arith.addf %add3A_305, %get3A_318 : vector<16xf32>
        %add3A_320 = arith.constant 5 : i32
        %add3A_321 = arith.addi %mul3A_240, %add3A_320 : i32
        %get3A_322 = arith.index_cast %add3A_321 : i32 to index
        %get3A_323 = arith.constant 16 : index
        %get3A_324 = tpu.vector_load %arg6[%get3A_322, %get3A_323] {strides = array<i32>} : memref<1280x32xf32, #tpu.memory_space<vmem>>, vector<1x16xf32>,
        %get3A_325 = vector.shape_cast %get3A_324 : vector<1x16xf32> to vector<16xf32>
        %add3A_326 = arith.addf %add3A_312, %get3A_325 : vector<16xf32>
        %add3A_327 = arith.constant 6 : i32
        %add3A_328 = arith.addi %mul3A_240, %add3A_327 : i32
        %get3A_329 = arith.index_cast %add3A_328 : i32 to index
        %get3A_330 = arith.constant 0 : index
        %get3A_331 = tpu.vector_load %arg6[%get3A_329, %get3A_330] {strides = array<i32>} : memref<1280x32xf32, #tpu.memory_space<vmem>>, vector<1x16xf32>,
        %get3A_332 = vector.shape_cast %get3A_331 : vector<1x16xf32> to vector<16xf32>
        %add3A_333 = arith.addf %add3A_319, %get3A_332 : vector<16xf32>
        %add3A_334 = arith.constant 6 : i32
        %add3A_335 = arith.addi %mul3A_240, %add3A_334 : i32
        %get3A_336 = arith.index_cast %add3A_335 : i32 to index
        %get3A_337 = arith.constant 16 : index
        %get3A_338 = tpu.vector_load %arg6[%get3A_336, %get3A_337] {strides = array<i32>} : memref<1280x32xf32, #tpu.memory_space<vmem>>, vector<1x16xf32>,
        %get3A_339 = vector.shape_cast %get3A_338 : vector<1x16xf32> to vector<16xf32>
        %add3A_340 = arith.addf %add3A_326, %get3A_339 : vector<16xf32>
        %add3A_341 = arith.constant 7 : i32
        %add3A_342 = arith.addi %mul3A_240, %add3A_341 : i32
        %get3A_343 = arith.index_cast %add3A_342 : i32 to index
        %get3A_344 = arith.constant 0 : index
        %get3A_345 = tpu.vector_load %arg6[%get3A_343, %get3A_344] {strides = array<i32>} : memref<1280x32xf32, #tpu.memory_space<vmem>>, vector<1x16xf32>,
        %get3A_346 = vector.shape_cast %get3A_345 : vector<1x16xf32> to vector<16xf32>
        %add3A_347 = arith.addf %add3A_333, %get3A_346 : vector<16xf32>
        %add3A_348 = arith.constant 7 : i32
        %add3A_349 = arith.addi %mul3A_240, %add3A_348 : i32
        %get3A_350 = arith.index_cast %add3A_349 : i32 to index
        %get3A_351 = arith.constant 16 : index
        %get3A_352 = tpu.vector_load %arg6[%get3A_350, %get3A_351] {strides = array<i32>} : memref<1280x32xf32, #tpu.memory_space<vmem>>, vector<1x16xf32>,
        %get3A_353 = vector.shape_cast %get3A_352 : vector<1x16xf32> to vector<16xf32>
        %add3A_354 = arith.addf %add3A_340, %get3A_353 : vector<16xf32>
        %add3A_355 = arith.constant 8 : i32
        %add3A_356 = arith.addi %mul3A_240, %add3A_355 : i32
        %get3A_357 = arith.index_cast %add3A_356 : i32 to index
        %get3A_358 = arith.constant 0 : index
        %get3A_359 = tpu.vector_load %arg6[%get3A_357, %get3A_358] {strides = array<i32>} : memref<1280x32xf32, #tpu.memory_space<vmem>>, vector<1x16xf32>,
        %get3A_360 = vector.shape_cast %get3A_359 : vector<1x16xf32> to vector<16xf32>
        %add3A_361 = arith.addf %add3A_347, %get3A_360 : vector<16xf32>
        %add3A_362 = arith.constant 8 : i32
        %add3A_363 = arith.addi %mul3A_240, %add3A_362 : i32
        %get3A_364 = arith.index_cast %add3A_363 : i32 to index
        %get3A_365 = arith.constant 16 : index
        %get3A_366 = tpu.vector_load %arg6[%get3A_364, %get3A_365] {strides = array<i32>} : memref<1280x32xf32, #tpu.memory_space<vmem>>, vector<1x16xf32>,
        %get3A_367 = vector.shape_cast %get3A_366 : vector<1x16xf32> to vector<16xf32>
        %add3A_368 = arith.addf %add3A_354, %get3A_367 : vector<16xf32>
        %add3A_369 = arith.constant 9 : i32
        %add3A_370 = arith.addi %mul3A_240, %add3A_369 : i32
        %get3A_371 = arith.index_cast %add3A_370 : i32 to index
        %get3A_372 = arith.constant 0 : index
        %get3A_373 = tpu.vector_load %arg6[%get3A_371, %get3A_372] {strides = array<i32>} : memref<1280x32xf32, #tpu.memory_space<vmem>>, vector<1x16xf32>,
        %get3A_374 = vector.shape_cast %get3A_373 : vector<1x16xf32> to vector<16xf32>
        %add3A_375 = arith.addf %add3A_361, %get3A_374 : vector<16xf32>
        %add3A_376 = arith.constant 9 : i32
        %add3A_377 = arith.addi %mul3A_240, %add3A_376 : i32
        %get3A_378 = arith.index_cast %add3A_377 : i32 to index
        %get3A_379 = arith.constant 16 : index
        %get3A_380 = tpu.vector_load %arg6[%get3A_378, %get3A_379] {strides = array<i32>} : memref<1280x32xf32, #tpu.memory_space<vmem>>, vector<1x16xf32>,
        %get3A_381 = vector.shape_cast %get3A_380 : vector<1x16xf32> to vector<16xf32>
        %add3A_382 = arith.addf %add3A_368, %get3A_381 : vector<16xf32>
        %add3A_383 = arith.constant 10 : i32
        %add3A_384 = arith.addi %mul3A_240, %add3A_383 : i32
        %get3A_385 = arith.index_cast %add3A_384 : i32 to index
        %get3A_386 = arith.constant 0 : index
        %get3A_387 = tpu.vector_load %arg6[%get3A_385, %get3A_386] {strides = array<i32>} : memref<1280x32xf32, #tpu.memory_space<vmem>>, vector<1x16xf32>,
        %get3A_388 = vector.shape_cast %get3A_387 : vector<1x16xf32> to vector<16xf32>
        %add3A_389 = arith.addf %add3A_375, %get3A_388 : vector<16xf32>
        %add3A_390 = arith.constant 10 : i32
        %add3A_391 = arith.addi %mul3A_240, %add3A_390 : i32
        %get3A_392 = arith.index_cast %add3A_391 : i32 to index
        %get3A_393 = arith.constant 16 : index
        %get3A_394 = tpu.vector_load %arg6[%get3A_392, %get3A_393] {strides = array<i32>} : memref<1280x32xf32, #tpu.memory_space<vmem>>, vector<1x16xf32>,
        %get3A_395 = vector.shape_cast %get3A_394 : vector<1x16xf32> to vector<16xf32>
        %add3A_396 = arith.addf %add3A_382, %get3A_395 : vector<16xf32>
        %add3A_397 = arith.constant 11 : i32
        %add3A_398 = arith.addi %mul3A_240, %add3A_397 : i32
        %get3A_399 = arith.index_cast %add3A_398 : i32 to index
        %get3A_400 = arith.constant 0 : index
        %get3A_401 = tpu.vector_load %arg6[%get3A_399, %get3A_400] {strides = array<i32>} : memref<1280x32xf32, #tpu.memory_space<vmem>>, vector<1x16xf32>,
        %get3A_402 = vector.shape_cast %get3A_401 : vector<1x16xf32> to vector<16xf32>
        %add3A_403 = arith.addf %add3A_389, %get3A_402 : vector<16xf32>
        %add3A_404 = arith.constant 11 : i32
        %add3A_405 = arith.addi %mul3A_240, %add3A_404 : i32
        %get3A_406 = arith.index_cast %add3A_405 : i32 to index
        %get3A_407 = arith.constant 16 : index
        %get3A_408 = tpu.vector_load %arg6[%get3A_406, %get3A_407] {strides = array<i32>} : memref<1280x32xf32, #tpu.memory_space<vmem>>, vector<1x16xf32>,
        %get3A_409 = vector.shape_cast %get3A_408 : vector<1x16xf32> to vector<16xf32>
        %add3A_410 = arith.addf %add3A_396, %get3A_409 : vector<16xf32>
        %add3A_411 = arith.constant 12 : i32
        %add3A_412 = arith.addi %mul3A_240, %add3A_411 : i32
        %get3A_413 = arith.index_cast %add3A_412 : i32 to index
        %get3A_414 = arith.constant 0 : index
        %get3A_415 = tpu.vector_load %arg6[%get3A_413, %get3A_414] {strides = array<i32>} : memref<1280x32xf32, #tpu.memory_space<vmem>>, vector<1x16xf32>,
        %get3A_416 = vector.shape_cast %get3A_415 : vector<1x16xf32> to vector<16xf32>
        %add3A_417 = arith.addf %add3A_403, %get3A_416 : vector<16xf32>
        %add3A_418 = arith.constant 12 : i32
        %add3A_419 = arith.addi %mul3A_240, %add3A_418 : i32
        %get3A_420 = arith.index_cast %add3A_419 : i32 to index
        %get3A_421 = arith.constant 16 : index
        %get3A_422 = tpu.vector_load %arg6[%get3A_420, %get3A_421] {strides = array<i32>} : memref<1280x32xf32, #tpu.memory_space<vmem>>, vector<1x16xf32>,
        %get3A_423 = vector.shape_cast %get3A_422 : vector<1x16xf32> to vector<16xf32>
        %add3A_424 = arith.addf %add3A_410, %get3A_423 : vector<16xf32>
        %add3A_425 = arith.constant 13 : i32
        %add3A_426 = arith.addi %mul3A_240, %add3A_425 : i32
        %get3A_427 = arith.index_cast %add3A_426 : i32 to index
        %get3A_428 = arith.constant 0 : index
        %get3A_429 = tpu.vector_load %arg6[%get3A_427, %get3A_428] {strides = array<i32>} : memref<1280x32xf32, #tpu.memory_space<vmem>>, vector<1x16xf32>,
        %get3A_430 = vector.shape_cast %get3A_429 : vector<1x16xf32> to vector<16xf32>
        %add3A_431 = arith.addf %add3A_417, %get3A_430 : vector<16xf32>
        %add3A_432 = arith.constant 13 : i32
        %add3A_433 = arith.addi %mul3A_240, %add3A_432 : i32
        %get3A_434 = arith.index_cast %add3A_433 : i32 to index
        %get3A_435 = arith.constant 16 : index
        %get3A_436 = tpu.vector_load %arg6[%get3A_434, %get3A_435] {strides = array<i32>} : memref<1280x32xf32, #tpu.memory_space<vmem>>, vector<1x16xf32>,
        %get3A_437 = vector.shape_cast %get3A_436 : vector<1x16xf32> to vector<16xf32>
        %add3A_438 = arith.addf %add3A_424, %get3A_437 : vector<16xf32>
        %add3A_439 = arith.constant 14 : i32
        %add3A_440 = arith.addi %mul3A_240, %add3A_439 : i32
        %get3A_441 = arith.index_cast %add3A_440 : i32 to index
        %get3A_442 = arith.constant 0 : index
        %get3A_443 = tpu.vector_load %arg6[%get3A_441, %get3A_442] {strides = array<i32>} : memref<1280x32xf32, #tpu.memory_space<vmem>>, vector<1x16xf32>,
        %get3A_444 = vector.shape_cast %get3A_443 : vector<1x16xf32> to vector<16xf32>
        %add3A_445 = arith.addf %add3A_431, %get3A_444 : vector<16xf32>
        %add3A_446 = arith.constant 14 : i32
        %add3A_447 = arith.addi %mul3A_240, %add3A_446 : i32
        %get3A_448 = arith.index_cast %add3A_447 : i32 to index
        %get3A_449 = arith.constant 16 : index
        %get3A_450 = tpu.vector_load %arg6[%get3A_448, %get3A_449] {strides = array<i32>} : memref<1280x32xf32, #tpu.memory_space<vmem>>, vector<1x16xf32>,
        %get3A_451 = vector.shape_cast %get3A_450 : vector<1x16xf32> to vector<16xf32>
        %add3A_452 = arith.addf %add3A_438, %get3A_451 : vector<16xf32>
        %add3A_453 = arith.constant 15 : i32
        %add3A_454 = arith.addi %mul3A_240, %add3A_453 : i32
        %get3A_455 = arith.index_cast %add3A_454 : i32 to index
        %get3A_456 = arith.constant 0 : index
        %get3A_457 = tpu.vector_load %arg6[%get3A_455, %get3A_456] {strides = array<i32>} : memref<1280x32xf32, #tpu.memory_space<vmem>>, vector<1x16xf32>,
        %get3A_458 = vector.shape_cast %get3A_457 : vector<1x16xf32> to vector<16xf32>
        %add3A_459 = arith.addf %add3A_445, %get3A_458 : vector<16xf32>
        %add3A_460 = arith.constant 15 : i32
        %add3A_461 = arith.addi %mul3A_240, %add3A_460 : i32
        %get3A_462 = arith.index_cast %add3A_461 : i32 to index
        %get3A_463 = arith.constant 16 : index
        %get3A_464 = tpu.vector_load %arg6[%get3A_462, %get3A_463] {strides = array<i32>} : memref<1280x32xf32, #tpu.memory_space<vmem>>, vector<1x16xf32>,
        %get3A_465 = vector.shape_cast %get3A_464 : vector<1x16xf32> to vector<16xf32>
        %add3A_466 = arith.addf %add3A_452, %get3A_465 : vector<16xf32>
        %add3A_467 = arith.constant 16 : i32
        %add3A_468 = arith.addi %mul3A_240, %add3A_467 : i32
        %get3A_469 = arith.index_cast %add3A_468 : i32 to index
        %get3A_470 = arith.constant 0 : index
        %get3A_471 = tpu.vector_load %arg6[%get3A_469, %get3A_470] {strides = array<i32>} : memref<1280x32xf32, #tpu.memory_space<vmem>>, vector<1x16xf32>,
        %get3A_472 = vector.shape_cast %get3A_471 : vector<1x16xf32> to vector<16xf32>
        %add3A_473 = arith.addf %add3A_459, %get3A_472 : vector<16xf32>
        %add3A_474 = arith.constant 16 : i32
        %add3A_475 = arith.addi %mul3A_240, %add3A_474 : i32
        %get3A_476 = arith.index_cast %add3A_475 : i32 to index
        %get3A_477 = arith.constant 16 : index
        %get3A_478 = tpu.vector_load %arg6[%get3A_476, %get3A_477] {strides = array<i32>} : memref<1280x32xf32, #tpu.memory_space<vmem>>, vector<1x16xf32>,
        %get3A_479 = vector.shape_cast %get3A_478 : vector<1x16xf32> to vector<16xf32>
        %add3A_480 = arith.addf %add3A_466, %get3A_479 : vector<16xf32>
        %add3A_481 = arith.constant 17 : i32
        %add3A_482 = arith.addi %mul3A_240, %add3A_481 : i32
        %get3A_483 = arith.index_cast %add3A_482 : i32 to index
        %get3A_484 = arith.constant 0 : index
        %get3A_485 = tpu.vector_load %arg6[%get3A_483, %get3A_484] {strides = array<i32>} : memref<1280x32xf32, #tpu.memory_space<vmem>>, vector<1x16xf32>,
        %get3A_486 = vector.shape_cast %get3A_485 : vector<1x16xf32> to vector<16xf32>
        %add3A_487 = arith.addf %add3A_473, %get3A_486 : vector<16xf32>
        %add3A_488 = arith.constant 17 : i32
        %add3A_489 = arith.addi %mul3A_240, %add3A_488 : i32
        %get3A_490 = arith.index_cast %add3A_489 : i32 to index
        %get3A_491 = arith.constant 16 : index
        %get3A_492 = tpu.vector_load %arg6[%get3A_490, %get3A_491] {strides = array<i32>} : memref<1280x32xf32, #tpu.memory_space<vmem>>, vector<1x16xf32>,
        %get3A_493 = vector.shape_cast %get3A_492 : vector<1x16xf32> to vector<16xf32>
        %add3A_494 = arith.addf %add3A_480, %get3A_493 : vector<16xf32>
        %add3A_495 = arith.constant 18 : i32
        %add3A_496 = arith.addi %mul3A_240, %add3A_495 : i32
        %get3A_497 = arith.index_cast %add3A_496 : i32 to index
        %get3A_498 = arith.constant 0 : index
        %get3A_499 = tpu.vector_load %arg6[%get3A_497, %get3A_498] {strides = array<i32>} : memref<1280x32xf32, #tpu.memory_space<vmem>>, vector<1x16xf32>,
        %get3A_500 = vector.shape_cast %get3A_499 : vector<1x16xf32> to vector<16xf32>
        %add3A_501 = arith.addf %add3A_487, %get3A_500 : vector<16xf32>
        %add3A_502 = arith.constant 18 : i32
        %add3A_503 = arith.addi %mul3A_240, %add3A_502 : i32
        %get3A_504 = arith.index_cast %add3A_503 : i32 to index
        %get3A_505 = arith.constant 16 : index
        %get3A_506 = tpu.vector_load %arg6[%get3A_504, %get3A_505] {strides = array<i32>} : memref<1280x32xf32, #tpu.memory_space<vmem>>, vector<1x16xf32>,
        %get3A_507 = vector.shape_cast %get3A_506 : vector<1x16xf32> to vector<16xf32>
        %add3A_508 = arith.addf %add3A_494, %get3A_507 : vector<16xf32>
        %add3A_509 = arith.constant 19 : i32
        %add3A_510 = arith.addi %mul3A_240, %add3A_509 : i32
        %get3A_511 = arith.index_cast %add3A_510 : i32 to index
        %get3A_512 = arith.constant 0 : index
        %get3A_513 = tpu.vector_load %arg6[%get3A_511, %get3A_512] {strides = array<i32>} : memref<1280x32xf32, #tpu.memory_space<vmem>>, vector<1x16xf32>,
        %get3A_514 = vector.shape_cast %get3A_513 : vector<1x16xf32> to vector<16xf32>
        %add3A_515 = arith.addf %add3A_501, %get3A_514 : vector<16xf32>
        %add3A_516 = arith.constant 19 : i32
        %add3A_517 = arith.addi %mul3A_240, %add3A_516 : i32
        %get3A_518 = arith.index_cast %add3A_517 : i32 to index
        %get3A_519 = arith.constant 16 : index
        %get3A_520 = tpu.vector_load %arg6[%get3A_518, %get3A_519] {strides = array<i32>} : memref<1280x32xf32, #tpu.memory_space<vmem>>, vector<1x16xf32>,
        %get3A_521 = vector.shape_cast %get3A_520 : vector<1x16xf32> to vector<16xf32>
        %add3A_522 = arith.addf %add3A_508, %get3A_521 : vector<16xf32>
        %mul3A_523 = arith.constant 5.000000e-02 : f32
        %mul3A_524 = vector.broadcast %mul3A_523 : f32 to vector<16xf32>
        %mul3A_525 = arith.mulf %add3A_515, %mul3A_524 : vector<16xf32>
        %swap3A = arith.index_cast %scan3A_238 : i32 to index
        %swap3A_526 = arith.constant 0 : index
        %swap3A_527 = tpu.vector_load %arg7[%swap3A, %swap3A_526] {strides = array<i32>} : memref<64x32xf32, #tpu.memory_space<vmem>>, vector<1x16xf32>,
        %swap3A_528 = vector.shape_cast %swap3A_527 : vector<1x16xf32> to vector<16xf32>
        %swap3A_529 = vector.shape_cast %mul3A_525 : vector<16xf32> to vector<1x16xf32>
        tpu.vector_store %arg7[%swap3A, %swap3A_526], %swap3A_529 {strides = array<i32>} : memref<64x32xf32, #tpu.memory_space<vmem>>, vector<1x16xf32>,
        %mul3A_530 = arith.constant 5.000000e-02 : f32
        %mul3A_531 = vector.broadcast %mul3A_530 : f32 to vector<16xf32>
        %mul3A_532 = arith.mulf %add3A_522, %mul3A_531 : vector<16xf32>
        %swap3A_533 = arith.index_cast %scan3A_238 : i32 to index
        %swap3A_534 = arith.constant 16 : index
        %swap3A_535 = tpu.vector_load %arg7[%swap3A_533, %swap3A_534] {strides = array<i32>} : memref<64x32xf32, #tpu.memory_space<vmem>>, vector<1x16xf32>,
        %swap3A_536 = vector.shape_cast %swap3A_535 : vector<1x16xf32> to vector<16xf32>
        %swap3A_537 = vector.shape_cast %mul3A_532 : vector<16xf32> to vector<1x16xf32>
        tpu.vector_store %arg7[%swap3A_533, %swap3A_534], %swap3A_537 {strides = array<i32>} : memref<64x32xf32, #tpu.memory_space<vmem>>, vector<1x16xf32>,
      }
      %scan3A_232 = arith.constant 64 : i32
      %mul3A_233 = arith.constant 512 : i32
      %mul3A_234 = arith.muli %add3A, %mul3A_233 : i32
      %mul3A_235 = arith.constant 64 : i32
      %mul3A_236 = arith.muli %scan3A_8, %mul3A_235 : i32
      %add3A_237 = arith.addi %mul3A_234, %mul3A_236 : i32
      "tpu.region"() ({
        %run_scoped3A = tpu.sem_alloc : memref<!tpu.dma_semaphore, #tpu.memory_space<semaphore_mem>>
        %dma_start3A_238 = arith.constant 0 : i32
        %dma_start3A_239 = tpu.memref_slice %arg4[%add3A_237, %dma_start3A_238] : memref<16384x32xf32, #tpu.memory_space<hbm>> -> memref<64x32xf32, #tpu.memory_space<hbm>>
        %dma_start3A_240 = arith.constant 0 : i32
        %dma_start3A_241 = tpu.memref_slice %arg4[%add3A_237, %dma_start3A_240] : memref<16384x32xf32, #tpu.memory_space<hbm>> -> memref<64x32xf32, #tpu.memory_space<hbm>>
        tpu.enqueue_dma source(%arg7 : memref<64x32xf32, #tpu.memory_space<vmem>>) target(%dma_start3A_241 : memref<64x32xf32, #tpu.memory_space<hbm>>) target_semaphore(%run_scoped3A : memref<!tpu.dma_semaphore, #tpu.memory_space<semaphore_mem>>)
        %dma_wait3A_242 = arith.constant 0 : i32
        %dma_wait3A_243 = tpu.memref_slice %arg4[%add3A_237, %dma_wait3A_242] : memref<16384x32xf32, #tpu.memory_space<hbm>> -> memref<64x32xf32, #tpu.memory_space<hbm>>
        %dma_wait3A_244 = arith.constant 0 : i32
        %dma_wait3A_245 = tpu.memref_slice %arg4[%add3A_237, %dma_wait3A_244] : memref<16384x32xf32, #tpu.memory_space<hbm>> -> memref<64x32xf32, #tpu.memory_space<hbm>>
        tpu.wait_dma2 semaphore(%run_scoped3A : memref<!tpu.dma_semaphore, #tpu.memory_space<semaphore_mem>>) src(%arg7 : memref<64x32xf32, #tpu.memory_space<vmem>>) dst(%dma_wait3A_245 : memref<64x32xf32, #tpu.memory_space<hbm>>)
        tpu.yield
      }) : () -> ()
    }
    %scan3A_7 = arith.constant 8 : i32
    return
  }
}

</mosaic_0001>

<sc_bundles>
// kernel: kernel.3.cloned.1.call-start
scs
__scs_entry_jumppad:
0x0: {  	(pc) =	sbr.rel $0x88, $3  }
0x1: {  	(tag) =	ssettag $0x0;
	lr =	simm.s32 $0x1  }
0x2: {  	[smem:$0x3F9F] =	sst lr;
	_ =	strace $0xD0000000  }
0x3: {  	_ = 	snop  }
0x4: {  	_ = 	snop  }
0x5: {  	_ = 	snop  }
0x6: {  	_ = 	snop  }
0x7: {  	_ = 	snop  }
__scs_overlays_trampoline_lowered:
0x8: {  	[smem:$0x3FAE] =	sst s0  }
0x9: {  	[smem:$0x3FAF] =	sst s1  }
0xa: {  	[smem:$0x3FB0] =	sst s2  }
0xb: {  	[smem:$0x3FB1] =	sst s3  }
0xc: {  	[smem:$0x3FB2] =	sst s4  }
0xd: {  	[smem:$0x3FB3] =	sst s5  }
0xe: {  	[smem:$0x3FB4] =	sst s6  }
0xf: {  	[smem:$0x3FB5] =	sst s7  }
0x10: {  	[smem:$0x3FB6] =	sst s8  }
0x11: {  	[smem:$0x3FB7] =	sst s9;
	s0 =	simm.s32 @!p0 $0x0  }
0x12: {  	s1 =	sld [smem:$0x3F9D];
	s0 =	simm.s32 @p0 $0x1  }
0x13: {  	[smem:$0x3FB8] =	sst s0;
	s0 =	simm.s32 @!p1 $0x0  }
0x14: {  	s2 =	sld [smem:$0x3F9C];
	s0 =	simm.s32 @p1 $0x1  }
0x15: {  	[smem:$0x3FB9] =	sst s0;
	s0 =	simm.s32 @!p2 $0x0  }
0x16: {  	s3 =	sld [smem:$0x3FDB];
	s0 =	simm.s32 @p2 $0x1  }
0x17: {  	s4 =	simm.s32 $0x1BF5;
	[smem:$0x3FBB] =	sst s0  }
0x18: {  	s0 =	sld [smem:$0x3F9E];
	_ =	swait.ge [sflag:s4], $0x0  }
0x19: {  	s7 =	sld [smem:$0x3F9F]  }
0x1a: {  	s8 =	sadd.s32 $0xFFFFE003, lr  }
0x1b: {  	s9 =	sadd.s32 $0xFFFFFEF7, lr;
	s5 =	simm.s32 $0xFFFFFFFF;
	p2 =	slt.u32 s8, $0xFFFFF086  }
0x1c: {  	p1 =	slt.u32 s9, $0xF7A;
	s5 =	simm.s32 @!p2 $0x0  }
0x1d: {  	s5 =	simm.s32 @p1 $0x1;
	p0 =	seq.s32 s7, s2  }
0x1e: {  	s7 =	smul.u32 @!p0 $0xF7A, s2;
	p2 =	seq.s32 @!p0 s5, $0x0  }
0x1f: {  	s9 =	smul.u32 $0xF7A, s1;
	s8 =	simm.s32 @!p0 $0x1BF5;
	p2 =	por !p2, p0  }
0x20: {  	[sflag:s8] =	ssyncset.s32 @!p0 $0xFFFFF086;
	s6 =	sadd.s32 @!p0 s3, s7;
	s7 =	simm.s32 @!p0 $0x108  }
0x21: {  	s3 =	sadd.s32 s3, s9;
	s6 =	sadd.s32 @!p0 $0x88, s6;
	s7 =	simm.s32 @p2 $0x1082  }
0x22: {  	[simem:s7], [sflag:s8] =	dma.local @!p0 [hbm:s6], $0xF7A  }
0x23: {  	s9 =	sor.u32 $0xD0000000, s2;
	s6 =	simm.s32 $0x108;
	_ =	swait.ge @!p0 [sflag:s8], $0x0  }
0x24: {  	s3 =	sadd.s32 $0x88, s3;
	s6 =	simm.s32 @!p1 $0x1082;
	[sflag:s4] =	ssyncset.s32 $0xFFFFF086  }
0x25: {  	[simem:s6], [sflag:s4] =	dma.local [hbm:s3], $0xF7A  }
0x26: {  	[smem:$0x3F9F] =	sst s1;
	(tag) =	ssettag s2;
	_ =	strace s9  }
0x27: {  	s1 =	sld [smem:$0x3FAF]  }
0x28: {  	s2 =	sld [smem:$0x3FB0]  }
0x29: {  	s4 =	sld [smem:$0x3FB2]  }
0x2a: {  	p0 =	seq.s32 s5, $0x0;
	s5 =	sld [smem:$0x3FB3]  }
0x2b: {  	s6 =	sld [smem:$0x3FB4]  }
0x2c: {  	s7 =	sld [smem:$0x3FB5]  }
0x2d: {  	s3 =	simm.s32 $0x108;
	s8 =	sld [smem:$0x3FB6]  }
0x2e: {  	s3 =	simm.s32 @!p0 $0x1082;
	s9 =	sld [smem:$0x3FB7]  }
0x2f: {  	lr =	sadd.s32 s0, s3;
	s0 =	sld [smem:$0x3FAE]  }
0x30: {  	s3 =	sld [smem:$0x3FB1]  }
0x31: {  	[smem:$0x3FBA] =	sst s10  }
0x32: {  	s10 =	sld [smem:$0x3FB8];
	_ =	sdelay $0x3  }
0x33: {  	p0 =	seq.s32 s10, $0x1;
	s10 =	sld [smem:$0x3FBA];
	_ =	sdelay $0x3  }
0x34: {  	[smem:$0x3FBA] =	sst s10  }
0x35: {  	s10 =	sld [smem:$0x3FB9];
	_ =	sdelay $0x3  }
0x36: {  	p1 =	seq.s32 s10, $0x1;
	s10 =	sld [smem:$0x3FBA];
	_ =	sdelay $0x3  }
0x37: {  	[smem:$0x3FBA] =	sst s10  }
0x38: {  	s10 =	sld [smem:$0x3FBB]  }
0x39: {  	_ = 	snop;
	(pc) =	sbr.ind lr, $3  }
0x3a: {  	_ = 	snop  }
0x3b: {  	_ = 	snop  }
0x3c: {  	p2 =	seq.s32 s10, $0x1;
	s10 =	sld [smem:$0x3FBA]  }
0x3d: {  	_ =	shalt  }
0x3e: {  	_ =	shalt  }
0x3f: {  	_ =	shalt  }
0x40: {  	_ =	shalt  }
0x41: {  	_ =	shalt  }
0x42: {  	_ =	shalt  }
0x43: {  	_ =	shalt  }
0x44: {  	_ =	shalt  }
0x45: {  	_ =	shalt  }
0x46: {  	_ =	shalt  }
0x47: {  	_ =	shalt  }
0x48: {  	_ =	shalt  }
0x49: {  	_ =	shalt  }
0x4a: {  	_ =	shalt  }
0x4b: {  	_ =	shalt  }
0x4c: {  	_ =	shalt  }
0x4d: {  	_ =	shalt  }
0x4e: {  	_ =	shalt  }
0x4f: {  	_ =	shalt  }
0x50: {  	_ =	shalt  }
0x51: {  	_ =	shalt  }
0x52: {  	_ =	shalt  }
0x53: {  	_ =	shalt  }
0x54: {  	_ =	shalt  }
0x55: {  	_ =	shalt  }
0x56: {  	_ =	shalt  }
0x57: {  	_ =	shalt  }
0x58: {  	_ =	shalt  }
0x59: {  	_ =	shalt  }
0x5a: {  	_ =	shalt  }
0x5b: {  	_ =	shalt  }
0x5c: {  	_ =	shalt  }
0x5d: {  	_ =	shalt  }
0x5e: {  	_ =	shalt  }
0x5f: {  	_ =	shalt  }
0x60: {  	_ =	shalt  }
0x61: {  	_ =	shalt  }
0x62: {  	_ =	shalt  }
0x63: {  	_ =	shalt  }
0x64: {  	_ =	shalt  }
0x65: {  	_ =	shalt  }
0x66: {  	_ =	shalt  }
0x67: {  	_ =	shalt  }
0x68: {  	_ =	shalt  }
0x69: {  	_ =	shalt  }
0x6a: {  	_ =	shalt  }
0x6b: {  	_ =	shalt  }
0x6c: {  	_ =	shalt  }
0x6d: {  	_ =	shalt  }
0x6e: {  	_ =	shalt  }
0x6f: {  	_ =	shalt  }
0x70: {  	_ =	shalt  }
0x71: {  	_ =	shalt  }
0x72: {  	_ =	shalt  }
0x73: {  	_ =	shalt  }
0x74: {  	_ =	shalt  }
0x75: {  	_ =	shalt  }
0x76: {  	_ =	shalt  }
0x77: {  	_ =	shalt  }
0x78: {  	_ =	shalt  }
0x79: {  	_ =	shalt  }
0x7a: {  	_ =	shalt  }
0x7b: {  	_ =	shalt  }
0x7c: {  	_ =	shalt  }
0x7d: {  	_ =	shalt  }
0x7e: {  	_ =	shalt  }
0x7f: {  	_ =	shalt  }
0x80: {  	_ =	shalt  }
0x81: {  	_ =	shalt  }
0x82: {  	_ =	shalt  }
0x83: {  	_ =	shalt  }
0x84: {  	_ =	shalt  }
0x85: {  	_ =	shalt  }
0x86: {  	_ =	shalt  }
0x87: {  	_ =	shalt  }
.Lfunc_end0:
.L_simem_size_0:
called_computation_lowered:
.L_overlay_start_0:
0x88: {  	s2 =	sld [smem:$0x3FD9]  }
0x89: {  	s3 =	sld [smem:$0x3FFE];
	_ =	sdelay $0x1  }
0x8a: {  	s1 =	srdreg.scid  }
0x8b: {  	s0 =	sand.u32 $0x1, s1  }
0x8c: {  	s17 =	sshll.u32 s0, $0xA;
	s2 =	sadd.s32 s3, s2  }
0x8d: {  	s2 =	sadd.s32 s2, s17  }
0x8e: {  	[smem:$0x3FC6] =	sst s2  }
0x8f: {  	_ = 	snop  }
0x90: {  	s2 =	sld [smem:$0x3FD0];
	(tm) =	ssettm $0x1  }
0x91: {  	s18 =	sld [smem:$0x3FFB];
	_ =	sdelay $0x3  }
0x92: {  	_ =	strace s18  }
0x93: {  	s3 =	sld [smem:$0x3FFC];
	_ =	sdelay $0x3  }
0x94: {  	_ =	strace s3  }
0x95: {  	s3 =	sld [smem:$0x3FFD];
	_ =	sdelay $0x3  }
0x96: {  	_ =	strace s3  }
0x97: {  	_ =	strace $0x8FFFFFFF  }
0x98: {  	s19 =	sld [smem:$0x3FDB];
	_ =	sdelay $0x1  }
0x99: {  	s4 =	simm.s32 $_scs_section_size  }
0x9a: {  	s5 =	simm.s32 $_size__tile_overlayer_lowered;
	s6 =	simm.s32 $_tile_overlayer_lowered  }
0x9b: {  	s22 =	simm.s32 $0x1BFF;
	s21 =	sshll.u32 s6, $0x1;
	s3 =	sadd.s32 s4, s19  }
0x9c: {  	s7 =	simm.s32 $0x0;
	s20 =	sshll.u32 s5, $0x1;
	s5 =	sadd.s32 s21, s3  }
0x9d: {  	[timem:s7], [sflag:s22] =	dma.local [hbm:s5], s20  }
0x9e: {  	_ =	swait.ge [sflag:s22], s20  }
0x9f: {  	s4 =	ssub.s32 $0x0, s20;
	[sflag:s22] =	ssyncset.done $0x0  }
0xa0: {  	[sflag:s22] =	ssyncadd.s32 s4;
	_ =	sdelay $0x1  }
0xa1: {  	s23 =	simm.s32 $0x1B8B  }
0xa2: {  	_ =	swait.ge [sflag:s23], $0x1  }
0xa3: {  	[sflag:s23] =	ssyncset.done $0x0  }
0xa4: {  	s25 =	simm.s32 $0x1B8E;
	s24 =	sld [smem:$0x3FFE];
	[sflag:s23] =	ssyncadd.s32 $0xFFFFFFFF  }
0xa5: {  	s26 =	simm.s32 $execute0_lowered;
	[smem:$0x3FD2] =	sst s25  }
0xa6: {  	s5 =	sshll.u32 s26, $0x1;
	_ =	strace $0x80000046;
	[dreg:$0x1] =	wrdreg $0xFFFFFFFF  }
0xa7: {  	s28 =	simm.s32 $_size_execute0_lowered;
	s3 =	sadd.s32 s3, s5;
	[dreg:$0x0] =	wrdreg $0x0  }
0xa8: {  	s5 =	sshll.u32 s28, $0x1;
	[dreg:$0x2] =	wrdreg s3  }
0xa9: {  	[dreg:$0x3] =	wrdreg s5  }
0xaa: {  	[dreg:$0x4] =	wrdreg $0xC0  }
0xab: {  	_ =	task [dreg:s7], $0x5FFFF  }
0xac: {  	[dreg:$0x1] =	wrdreg $0xFFFFFFFF  }
0xad: {  	[dreg:$0x0] =	wrdreg $0x60  }
0xae: {  	[dreg:$0x2] =	wrdreg s24  }
0xaf: {  	[dreg:$0x3] =	wrdreg s2  }
0xb0: {  	[dreg:$0x4] =	wrdreg $0x9  }
0xb1: {  	_ =	task.clear_ibuf [dreg:s7], $0x5FFFF;
	_ =	strace $0x90000046  }
0xb2: {  	s29 =	simm.s32 $0x9;
	_ =	strace $0x80000048  }
0xb3: {  	_ =	swait.ge [sflag:s29], $0x1  }
0xb4: {  	[sflag:s29] =	ssyncadd.s32 $0xFFFFFFFF  }
0xb5: {  	_ =	strace $0x90000048  }
0xb6: {  	_ =	sfence  }
0xb7: {  	s30 =	sld [smem:$0x0];
	_ =	sdelay $0x2  }
0xb8: {  	s31 =	sshll.u32 s1, $0xD;
	s1 =	sshrl.u32 s1, $0x2  }
0xb9: {  	s3 =	sand.u32 $0x4000, s31;
	s1 =	sadd.s32 s1, s30  }
0xba: {  	s0 =	sor.u32 s3, s0;
	s1 =	sshll.u32 s1, $0x11  }
0xbb: {  	s0 =	sor.u32 s1, s0  }
0xbc: {  	s0 =	sadd.s32 $0x8F2B, s0  }
0xbd: {  	[sflag:s0] =	ssyncadd.remote.s32 $0x1  }
0xbe: {  	_ =	sfence.sel $0xFFFF  }
0xbf: {  	[dreg:$0x0] =	wrdreg $0xFFFFFFFF;
	(pc) =	sbr.abs _section_cstart, $3  }
0xc0: {  	[dreg:$0x1] =	wrdreg $0xFFFFFFFF  }
0xc1: {  	_ =	task.clear_ibuf [dreg:s7], $0x2FFFF;
	_ =	strace $0x9FFFFFFF  }
0xc2: {  	(tm) =	ssettm $0x7FFFFFFF  }
0xc3: {  	_ =	shalt  }
tec
execute0_lowered:
.L_overlay_start_1:
0x0: {  	(tag) =	ssettag $0x1  }
0x1: {  	s1 =	srdreg.scid  }
0x2: {  	s0 =	stileid.u32;
	s3 =	rddreg [dreg:$0x0]  }
0x3: {  	s5 =	rddreg [dreg:$0x1];
	s2 =	simm.s32 $0x0;
	s9 =	simm.s32 $0x2800  }
0x4: {  	s10 =	simm.s32 $0x3800;
	s11 =	simm.s32 $0x4800;
	s12 =	simm.s32 $0x5800  }
0x5: {  	s13 =	simm.s32 $0x6800;
	s14 =	simm.s32 $0x7800;
	s15 =	simm.s32 $0x8800  }
0x6: {  	s16 =	simm.s32 $0x9800;
	s17 =	simm.s32 $0xA800;
	s18 =	simm.s32 $0xB800  }
0x7: {  	s19 =	simm.s32 $0x1;
	s20 =	simm.s32 $0xC800;
	s21 =	simm.s32 $0x0  }
0x8: {  	s4 =	sand.u32 $0x1, s1;
	s31 =	sshll.u32 s0, $0x1;
	s1 =	rddreg [dreg:$0x2]  }
0x9: {  	[smem:$0x7FF] =	sst s2;
	s6 =	sor.u32 s4, s31;
	s4 =	ssub.s32 $0x2, s4  }
0xa: {  	s7 =	smul.u32 $0x500, s6;
	s8 =	sshrl.u32 s4, $0x1;
	s6 =	sshll.u32 s6, $0xB  }
0xb: {  	_ =	strace $0x80000047;
	s8 =	ssub.s32 s4, s8;
	s5 =	sadd.s32 s5, s6  }
0xc: {  	s7 =	sadd.s32 s7, s3;
	s3 =	sadd.s32 $0xF42A00, s3;
	s6 =	smax.u32 s8, $0x1  }
0xd: {  	s8 =	simm.s32 $0x80;
	s4 =	sadd.s32 $0x600, s7;
	s7 =	simm.s32 $0x2  }
.LBB2_1:
0xe: {  	[tilespmem:s2], [sflag:$0x2] =	stream.linear.gather [hbm4b:s4+s2], $0x2800, $0x38;
	[tilespmem:$0xD000] =	vst v63  }
0xf: {  	_ =	swait.ge [sflag:s7], $0x2800  }
0x10: {  	[sflag:s7] =	ssyncset.done $0x0  }
0x11: {  	s22 =	simm.s32 $0x0;
	[sflag:s7] =	ssyncadd.s32 $0xFFFFD800  }
.LBB2_2:
0x12: {  	s23 =	smul.u32 $0x1400, s22;
	_ =	sdelay $0x1  }
0x13: {  	s23 =	sshra.s32 s23, $0x2  }
0x14: {  	[tilespmem:s9], [sflag:$0x1] =	stream.indirect.gather [hbm4b:s3+s8], $0x20, s23, s8, $0xb8;
	[tilespmem:$0xD000] =	vst v63  }
0x15: {  	s24 =	sor.u32 $0x80, s23  }
0x16: {  	[tilespmem:s10], [sflag:$0x1] =	stream.indirect.gather [hbm4b:s3+s8], $0x20, s24, s8, $0xb8;
	[tilespmem:$0xD000] =	vst v63  }
0x17: {  	s31 =	sadd.s32 $0x100, s23  }
0x18: {  	[tilespmem:s11], [sflag:$0x1] =	stream.indirect.gather [hbm4b:s3+s8], $0x20, s31, s8, $0xb8;
	[tilespmem:$0xD000] =	vst v63  }
0x19: {  	s25 =	sadd.s32 $0x180, s23  }
0x1a: {  	[tilespmem:s12], [sflag:$0x1] =	stream.indirect.gather [hbm4b:s3+s8], $0x20, s25, s8, $0xb8;
	[tilespmem:$0xD000] =	vst v63  }
0x1b: {  	s26 =	sadd.s32 $0x200, s23  }
0x1c: {  	[tilespmem:s13], [sflag:$0x1] =	stream.indirect.gather [hbm4b:s3+s8], $0x20, s26, s8, $0xb8;
	[tilespmem:$0xD000] =	vst v63  }
0x1d: {  	s28 =	sadd.s32 $0x280, s23  }
0x1e: {  	[tilespmem:s14], [sflag:$0x1] =	stream.indirect.gather [hbm4b:s3+s8], $0x20, s28, s8, $0xb8;
	[tilespmem:$0xD000] =	vst v63  }
0x1f: {  	s29 =	sadd.s32 $0x300, s23  }
0x20: {  	[tilespmem:s15], [sflag:$0x1] =	stream.indirect.gather [hbm4b:s3+s8], $0x20, s29, s8, $0xb8;
	[tilespmem:$0xD000] =	vst v63  }
0x21: {  	s30 =	sadd.s32 $0x380, s23  }
0x22: {  	[tilespmem:s16], [sflag:$0x1] =	stream.indirect.gather [hbm4b:s3+s8], $0x20, s30, s8, $0xb8;
	[tilespmem:$0xD000] =	vst v63  }
0x23: {  	s31 =	sadd.s32 $0x400, s23  }
0x24: {  	[tilespmem:s17], [sflag:$0x1] =	stream.indirect.gather [hbm4b:s3+s8], $0x20, s31, s8, $0xb8;
	[tilespmem:$0xD000] =	vst v63  }
0x25: {  	s23 =	sadd.s32 $0x480, s23  }
0x26: {  	[tilespmem:s18], [sflag:$0x1] =	stream.indirect.gather [hbm4b:s3+s8], $0x20, s23, s8, $0xb8;
	[tilespmem:$0xD000] =	vst v63  }
0x27: {  	_ =	swait.ge [sflag:s19], $0x1000  }
0x28: {  	[sflag:s19] =	ssyncset.done $0x0  }
0x29: {  	[sflag:s19] =	ssyncadd.s32 $0xFFFFF000  }
0x2a: {  	_ =	swait.ge [sflag:s19], $0x1000  }
0x2b: {  	[sflag:s19] =	ssyncset.done $0x0  }
0x2c: {  	[sflag:s19] =	ssyncadd.s32 $0xFFFFF000  }
0x2d: {  	_ =	swait.ge [sflag:s19], $0x1000  }
0x2e: {  	[sflag:s19] =	ssyncset.done $0x0  }
0x2f: {  	[sflag:s19] =	ssyncadd.s32 $0xFFFFF000  }
0x30: {  	_ =	swait.ge [sflag:s19], $0x1000  }
0x31: {  	[sflag:s19] =	ssyncset.done $0x0  }
0x32: {  	[sflag:s19] =	ssyncadd.s32 $0xFFFFF000  }
0x33: {  	_ =	swait.ge [sflag:s19], $0x1000  }
0x34: {  	[sflag:s19] =	ssyncset.done $0x0  }
0x35: {  	[sflag:s19] =	ssyncadd.s32 $0xFFFFF000  }
0x36: {  	_ =	swait.ge [sflag:s19], $0x1000  }
0x37: {  	[sflag:s19] =	ssyncset.done $0x0  }
0x38: {  	[sflag:s19] =	ssyncadd.s32 $0xFFFFF000  }
0x39: {  	_ =	swait.ge [sflag:s19], $0x1000  }
0x3a: {  	[sflag:s19] =	ssyncset.done $0x0  }
0x3b: {  	[sflag:s19] =	ssyncadd.s32 $0xFFFFF000  }
0x3c: {  	_ =	swait.ge [sflag:s19], $0x1000  }
0x3d: {  	[sflag:s19] =	ssyncset.done $0x0  }
0x3e: {  	[sflag:s19] =	ssyncadd.s32 $0xFFFFF000  }
0x3f: {  	_ =	swait.ge [sflag:s19], $0x1000  }
0x40: {  	[sflag:s19] =	ssyncset.done $0x0  }
0x41: {  	[sflag:s19] =	ssyncadd.s32 $0xFFFFF000  }
0x42: {  	_ =	swait.ge [sflag:s19], $0x1000  }
0x43: {  	[sflag:s19] =	ssyncset.done $0x0  }
0x44: {  	s23 =	simm.s32 $0x2940;
	[sflag:s19] =	ssyncadd.s32 $0xFFFFF000  }
0x45: {  	v0 =	vld [tilespmem:s23+$0xFFFFFEC0]  }
0x46: {  	v1 =	vld [tilespmem:s23+$0xFFFFFED0]  }
0x47: {  	v2 =	vld [tilespmem:s23+$0xFFFFFEE0]  }
0x48: {  	v3 =	vld [tilespmem:s23+$0xFFFFFEF0]  }
0x49: {  	v4 =	vld [tilespmem:s23+$0xFFFFFF00]  }
0x4a: {  	v5 =	vld [tilespmem:s23+$0xFFFFFF10];
	v0 =	vadd.f32 $0.0e+00, v0  }
0x4b: {  	v6 =	vld [tilespmem:s23+$0xFFFFFF20]  }
0x4c: {  	v7 =	vld [tilespmem:s23+$0xFFFFFF40];
	v1 =	vadd.f32 $0.0e+00, v1;
	v0 =	vadd.f32 v2, v0  }
0x4d: {  	v2 =	vld [tilespmem:s23+$0xFFFFFF30]  }
0x4e: {  	v44 =	vld [tilespmem:s23+$0xFFFFFF60];
	v1 =	vadd.f32 v3, v1;
	v0 =	vadd.f32 v4, v0  }
0x4f: {  	v3 =	vld [tilespmem:s23+$0xFFFFFF50]  }
0x50: {  	v45 =	vld [tilespmem:s23+$0xFFFFFF70];
	v1 =	vadd.f32 v5, v1;
	v0 =	vadd.f32 v6, v0  }
0x51: {  	v46 =	vld [tilespmem:s23+$0xFFFFFF80]  }
0x52: {  	v47 =	vld [tilespmem:s23+$0xFFFFFFA0];
	v1 =	vadd.f32 v2, v1;
	v0 =	vadd.f32 v7, v0  }
0x53: {  	v2 =	vld [tilespmem:s23+$0xFFFFFF90]  }
0x54: {  	v48 =	vld [tilespmem:s23+$0xFFFFFFC0];
	v1 =	vadd.f32 v3, v1;
	v0 =	vadd.f32 v44, v0  }
0x55: {  	v3 =	vld [tilespmem:s23+$0xFFFFFFB0]  }
0x56: {  	v49 =	vld [tilespmem:s23+$0xFFFFFFD0];
	v1 =	vadd.f32 v45, v1;
	v0 =	vadd.f32 v46, v0  }
0x57: {  	v50 =	vld [tilespmem:s23+$0xFFFFFFE0]  }
0x58: {  	v51 =	vld [tilespmem:s23+$0x0];
	v1 =	vadd.f32 v2, v1;
	v0 =	vadd.f32 v47, v0  }
0x59: {  	v2 =	vld [tilespmem:s23+$0xFFFFFFF0]  }
0x5a: {  	v52 =	vld [tilespmem:s23+$0x20];
	v1 =	vadd.f32 v3, v1;
	v0 =	vadd.f32 v48, v0  }
0x5b: {  	v3 =	vld [tilespmem:s23+$0x10]  }
0x5c: {  	v53 =	vld [tilespmem:s23+$0x30];
	v1 =	vadd.f32 v49, v1;
	v0 =	vadd.f32 v50, v0  }
0x5d: {  	v54 =	vld [tilespmem:s23+$0x40]  }
0x5e: {  	v55 =	vld [tilespmem:s23+$0x60];
	v1 =	vadd.f32 v2, v1;
	v0 =	vadd.f32 v51, v0  }
0x5f: {  	v2 =	vld [tilespmem:s23+$0x50]  }
0x60: {  	v56 =	vld [tilespmem:s23+$0x80];
	v1 =	vadd.f32 v3, v1;
	v0 =	vadd.f32 v52, v0  }
0x61: {  	v3 =	vld [tilespmem:s23+$0x70]  }
0x62: {  	v57 =	vld [tilespmem:s23+$0x90];
	v1 =	vadd.f32 v53, v1;
	v0 =	vadd.f32 v54, v0  }
0x63: {  	v58 =	vld [tilespmem:s23+$0xA0]  }
0x64: {  	v59 =	vld [tilespmem:s23+$0xC0];
	v1 =	vadd.f32 v2, v1;
	v0 =	vadd.f32 v55, v0  }
0x65: {  	v2 =	vld [tilespmem:s23+$0xB0]  }
0x66: {  	v60 =	vld [tilespmem:s23+$0xE0];
	v1 =	vadd.f32 v3, v1;
	v0 =	vadd.f32 v56, v0  }
0x67: {  	v3 =	vld [tilespmem:s23+$0xD0]  }
0x68: {  	v61 =	vld [tilespmem:s23+$0xF0];
	v1 =	vadd.f32 v57, v1;
	v0 =	vadd.f32 v58, v0  }
0x69: {  	v62 =	vld [tilespmem:s23+$0x100]  }
0x6a: {  	v63 =	vld [tilespmem:s23+$0x120];
	v1 =	vadd.f32 v2, v1;
	v0 =	vadd.f32 v59, v0  }
0x6b: {  	v2 =	vld [tilespmem:s23+$0x110]  }
0x6c: {  	v1 =	vadd.f32 v3, v1;
	v0 =	vadd.f32 v60, v0  }
0x6d: {  	v3 =	vld [tilespmem:s23+$0x130]  }
0x6e: {  	v1 =	vadd.f32 v61, v1;
	v0 =	vadd.f32 v62, v0;
	_ =	sdelay $0x1  }
0x6f: {  	v1 =	vadd.f32 v2, v1;
	v0 =	vadd.f32 v63, v0;
	_ =	sdelay $0x1  }
0x70: {  	v1 =	vadd.f32 v3, v1;
	v2 =	vmul.f32 $5.000000070e-02, v0  }
0x71: {  	s25 =	simm.s32 $0x0  }
0x72: {  	s24 =	simm.s32 $0x80;
	v0 =	vmul.f32 $5.000000070e-02, v1;
	[tilespmem:s25+$0xC800] =	vst v2  }
.LBB2_3:
0x73: {  	p0 =	sne.s32 s24, $0x1F80  }
0x74: {  	[tilespmem:s25+$0xC810] =	vst v0;
	s23 =	sadd.s32 $0x280, s23;
	s25 =	smov.u32 s24;
	s24 =	sadd.s32 $0x80, s24  }
0x75: {  	v0 =	vld [tilespmem:s23+$0xFFFFFEC0]  }
0x76: {  	v1 =	vld [tilespmem:s23+$0xFFFFFED0]  }
0x77: {  	v2 =	vld [tilespmem:s23+$0xFFFFFEE0]  }
0x78: {  	v3 =	vld [tilespmem:s23+$0xFFFFFEF0]  }
0x79: {  	v4 =	vld [tilespmem:s23+$0xFFFFFF00]  }
0x7a: {  	v0 =	vadd.f32 $0.0e+00, v0;
	v5 =	vld [tilespmem:s23+$0xFFFFFF10]  }
0x7b: {  	v1 =	vadd.f32 $0.0e+00, v1;
	v6 =	vld [tilespmem:s23+$0xFFFFFF20]  }
0x7c: {  	v0 =	vadd.f32 v2, v0;
	v2 =	vld [tilespmem:s23+$0xFFFFFF30]  }
0x7d: {  	v1 =	vadd.f32 v3, v1;
	v3 =	vld [tilespmem:s23+$0xFFFFFF40]  }
0x7e: {  	v0 =	vadd.f32 v4, v0;
	v4 =	vld [tilespmem:s23+$0xFFFFFF50]  }
0x7f: {  	v1 =	vadd.f32 v5, v1;
	v5 =	vld [tilespmem:s23+$0xFFFFFF60]  }
0x80: {  	v0 =	vadd.f32 v6, v0;
	v6 =	vld [tilespmem:s23+$0xFFFFFF70]  }
0x81: {  	v1 =	vadd.f32 v2, v1;
	v2 =	vld [tilespmem:s23+$0xFFFFFF80]  }
0x82: {  	v0 =	vadd.f32 v3, v0;
	v3 =	vld [tilespmem:s23+$0xFFFFFF90]  }
0x83: {  	v1 =	vadd.f32 v4, v1;
	v4 =	vld [tilespmem:s23+$0xFFFFFFA0]  }
0x84: {  	v0 =	vadd.f32 v5, v0;
	v5 =	vld [tilespmem:s23+$0xFFFFFFB0]  }
0x85: {  	v1 =	vadd.f32 v6, v1;
	v6 =	vld [tilespmem:s23+$0xFFFFFFC0]  }
0x86: {  	v0 =	vadd.f32 v2, v0;
	v2 =	vld [tilespmem:s23+$0xFFFFFFD0]  }
0x87: {  	v1 =	vadd.f32 v3, v1;
	v3 =	vld [tilespmem:s23+$0xFFFFFFE0]  }
0x88: {  	v0 =	vadd.f32 v4, v0;
	v4 =	vld [tilespmem:s23+$0xFFFFFFF0]  }
0x89: {  	v1 =	vadd.f32 v5, v1;
	v5 =	vld [tilespmem:s23+$0x0]  }
0x8a: {  	v0 =	vadd.f32 v6, v0;
	v6 =	vld [tilespmem:s23+$0x10]  }
0x8b: {  	v1 =	vadd.f32 v2, v1;
	v2 =	vld [tilespmem:s23+$0x20]  }
0x8c: {  	v0 =	vadd.f32 v3, v0;
	v3 =	vld [tilespmem:s23+$0x30]  }
0x8d: {  	v1 =	vadd.f32 v4, v1;
	v4 =	vld [tilespmem:s23+$0x40]  }
0x8e: {  	v0 =	vadd.f32 v5, v0;
	v5 =	vld [tilespmem:s23+$0x50]  }
0x8f: {  	v1 =	vadd.f32 v6, v1;
	v6 =	vld [tilespmem:s23+$0x60]  }
0x90: {  	v0 =	vadd.f32 v2, v0;
	v2 =	vld [tilespmem:s23+$0x70]  }
0x91: {  	v1 =	vadd.f32 v3, v1;
	v3 =	vld [tilespmem:s23+$0x80]  }
0x92: {  	v0 =	vadd.f32 v4, v0;
	v4 =	vld [tilespmem:s23+$0x90]  }
0x93: {  	v1 =	vadd.f32 v5, v1;
	v5 =	vld [tilespmem:s23+$0xA0]  }
0x94: {  	v0 =	vadd.f32 v6, v0;
	v6 =	vld [tilespmem:s23+$0xB0]  }
0x95: {  	v1 =	vadd.f32 v2, v1;
	v2 =	vld [tilespmem:s23+$0xC0]  }
0x96: {  	v0 =	vadd.f32 v3, v0;
	v3 =	vld [tilespmem:s23+$0xD0]  }
0x97: {  	v1 =	vadd.f32 v4, v1;
	v4 =	vld [tilespmem:s23+$0xE0]  }
0x98: {  	v0 =	vadd.f32 v5, v0;
	v5 =	vld [tilespmem:s23+$0xF0]  }
0x99: {  	v1 =	vadd.f32 v6, v1;
	v6 =	vld [tilespmem:s23+$0x100]  }
0x9a: {  	v0 =	vadd.f32 v2, v0;
	v2 =	vld [tilespmem:s23+$0x110]  }
0x9b: {  	v1 =	vadd.f32 v3, v1;
	v3 =	vld [tilespmem:s23+$0x120]  }
0x9c: {  	v0 =	vadd.f32 v4, v0;
	v4 =	vld [tilespmem:s23+$0x130]  }
0x9d: {  	v1 =	vadd.f32 v5, v1  }
0x9e: {  	v0 =	vadd.f32 v6, v0  }
0x9f: {  	v1 =	vadd.f32 v2, v1  }
.Ltmp0:
0xa0: {  	v0 =	vadd.f32 v3, v0;
	(pc) =	sbr.rel @p0 .LBB2_3-.Ltmp0, $4  }
0xa1: {  	v1 =	vadd.f32 v4, v1  }
0xa2: {  	v2 =	vmul.f32 $5.000000070e-02, v0  }
0xa3: {  	s25 =	sshra.s32 s25, $0x2;
	v0 =	vmul.f32 $5.000000070e-02, v1  }
0xa4: {  	[tilespmem:s25+$0xC800] =	vst v2  }
0xa5: {  	s23 =	sshll.u32 s22, $0x8;
	s22 =	sadd.s32 $0x1, s22  }
0xa6: {  	p0 =	sne.s32 s22, $0x8  }
.Ltmp1:
0xa7: {  	[tilespmem:s25+$0xC810] =	vst v0;
	s23 =	sadd.s32 s23, s5;
	(pc) =	sbr.rel @p0 .LBB2_2-.Ltmp1, $4  }
0xa8: {  	[hbm4b:s23+s2] =	stream.linear.scatter [tilespmem:s20], [sflag:$0x2], $0x800, $0x38;
	[tilespmem:$0xD000] =	vst v63  }
0xa9: {  	_ =	swait.ge [sflag:s7], $0x800  }
0xaa: {  	[sflag:s7] =	ssyncset.done $0x0  }
0xab: {  	[sflag:s7] =	ssyncadd.s32 $0xFFFFF800  }
0xac: {  	s21 =	sadd.s32 $0x1, s21  }
0xad: {  	p0 =	sne.s32 s21, s6  }
.Ltmp2:
0xae: {  	_ = 	snop;
	(pc) =	sbr.rel @p0 .LBB2_1-.Ltmp2, $1  }
0xaf: {  	_ =	sdelay $0x3  }
0xb0: {  	_ =	sfence.sel $0x180000  }
0xb1: {  	[bflag:$0x0] =	sbarrier.arrive $0xFFFF  }
0xb2: {  	p0 =	sne.s32 s0, $0x0;
	_ =	strace $0x90000047  }
0xb3: {  	s0 =	sadd.s32 @!p0 $0x100000, s1;
	[bflag:$0x2] =	sbarrier.arrive $0xFFFF  }
0xb4: {  	[sflag:s0] =	ssyncadd.tile.s32 @!p0 $0x1;
	_ =	shalt  }
.Lfunc_end2:
_tile_overlayer_lowered:
.L_overlay_start_2:
0xb5: {  	(tag) =	ssettag $0x2  }
0xb6: {  	s0 =	rddreg [dreg:$0x0];
	s2 =	stileid.u32  }
0xb7: {  	s1 =	rddreg [dreg:$0x1];
	p0 =	sne.s32 s2, $0x0  }
0xb8: {  	s3 =	rddreg [dreg:$0x2];
	[bflag:$0x3] =	sbarrier.arrive $0xFFFF;
	s2 =	simm.s32 @!p0 $0x1C02  }
0xb9: {  	[timem:s3], [sflag:s2] =	dma.local @!p0 [hbm:s0], s1  }
0xba: {  	s0 =	simm.s32 @!p0 $0x2  }
0xbb: {  	_ =	swait.ge @!p0 [sflag:s0], s1  }
0xbc: {  	s1 =	ssub.s32 @!p0 $0x0, s1;
	[sflag:s0] =	ssyncset.done @!p0 $0x0  }
0xbd: {  	[sflag:s0] =	ssyncadd.s32 @!p0 s1  }
0xbe: {  	[bflag:$0x3] =	sbarrier.arrive $0xFFFF  }
0xbf: {  	_ =	shalt  }

</sc_bundles>
